<compile_context>
chip_gen: v7x
topology: tpu7x:2x2x1
jax: 0.10.2.dev20260603
libtpu: 0.0.44.dev20260713+nightly
codegen_flags: <defaults>
</compile_context>

<pallas_src>
import functools
import math

import jax
import jax.numpy as jnp
from jax import lax
from jax.experimental import pallas as pl
from jax.experimental.pallas import tpu as pltpu
from jax.experimental.pallas import tpu_sc as plsc

DIM = 1024
SCALE = math.sqrt(DIM)
LANES = 16
NC, NS = 2, 16
NW = NC * NS
CHUNK = 32
NBUF = 3
GROUP = 32


def _body(n_chunks, idx_hbm, table_hbm, out_hbm, idx_v, bufs, gsems, ssems):
    wid = lax.axis_index("s") * NC + lax.axis_index("c")
    rows_per_worker = n_chunks * CHUNK
    base = wid * rows_per_worker

    w_per_row = idx_hbm.shape[1] // rows_per_worker
    pltpu.sync_copy(
        idx_hbm.at[wid // w_per_row, pl.ds((wid % w_per_row) * rows_per_worker, rows_per_worker)],
        idx_v,
    )

    def g_desc(c, b):
        return pltpu.make_async_copy(
            table_hbm.at[idx_v.at[pl.ds(c * CHUNK, CHUNK)]], bufs[b], gsems[b]
        )

    def s_desc(c, b):
        return pltpu.make_async_copy(
            bufs[b], out_hbm.at[pl.ds(base + c * CHUNK, CHUNK)], ssems[b]
        )

    def scale(b):
        def row_body(r, carry):
            def col_body(j, carry2):
                sl = pl.ds(j * LANES, LANES)
                bufs[b][r, sl] = bufs[b][r, sl] * SCALE
                return carry2

            return lax.fori_loop(0, DIM // LANES, col_body, carry, unroll=8)

        lax.fori_loop(0, CHUNK, row_body, 0)

    g_desc(0, 0).start()
    g_desc(1, 1).start()

    g_desc(0, 0).wait()
    scale(0)
    g_desc(2, 2).start()
    s_desc(0, 0).start()

    g_desc(1, 1).wait()
    scale(1)
    s_desc(0, 0).wait()
    g_desc(3, 0).start()
    s_desc(1, 1).start()

    def round_body(r, carry):
        for p in range(3):
            c = 2 + 3 * r + p
            bp = (2 + p) % 3
            pbuf = (bp + 2) % 3
            g_desc(c, bp).wait()
            scale(bp)
            s_desc(c - 1, pbuf).wait()

            @pl.when(c + 2 < n_chunks)
            def _():
                g_desc(c + 2, pbuf).start()

            s_desc(c, bp).start()
        return carry

    lax.fori_loop(0, (n_chunks - 2) // 3, round_body, 0)
    s_desc(n_chunks - 1, (n_chunks - 1) % NBUF).wait()


def kernel(x, table):
    batch = x.size
    idx = x if x.dtype == jnp.int32 else x.astype(jnp.int32)
    rows_per_worker = batch // NW
    n_chunks = rows_per_worker // CHUNK

    mesh = plsc.VectorSubcoreMesh(core_axis_name="c", subcore_axis_name="s")
    run = functools.partial(
        pl.kernel,
        out_type=jax.ShapeDtypeStruct((batch, DIM), jnp.float32),
        mesh=mesh,
        scratch_types=[
            pltpu.VMEM((rows_per_worker,), jnp.int32),
            tuple(pltpu.VMEM((CHUNK, DIM), jnp.float32) for _ in range(NBUF)),
            tuple(pltpu.SemaphoreType.DMA for _ in range(NBUF)),
            tuple(pltpu.SemaphoreType.DMA for _ in range(NBUF)),
        ],
    )(functools.partial(_body, n_chunks))

    out = run(idx, table)
    return out.reshape(x.shape + (DIM,))

# --- scband reference (transcript-rebuilt; emitter-appended) ---
"""Pipeline reference for scband-input-embeddings-27195732918389 (READ-ONLY COPY).

The authoritative reference and input builder live on the scoring server;
editing this copy changes nothing except your own understanding.
"""

import jax, jax.numpy as jnp
import numpy as np
import math

DIM_MODEL = 1024
VOCAB_SIZE = 100000

def setup_inputs(seed: int = 0) -> dict:
    key = jax.random.key(seed)
    k1, k2 = jax.random.split(key)
    x = jax.random.randint(k1, (4, 2048), 0, VOCAB_SIZE, dtype=jnp.int64 if jax.config.jax_enable_x64 else jnp.int32)
    table = jax.random.normal(k2, (VOCAB_SIZE, DIM_MODEL), dtype=jnp.float32)
    return {"x": x, "table": table}

def reference(x, table):
    # InputEmbeddings.forward: embedding(x) * sqrt(dim_model)
    emb = jnp.take(table, x, axis=0)
    return emb * math.sqrt(DIM_MODEL)

if __name__ == "__main__":
    import jax
    _d = setup_inputs()
    print(jax.jit(kernel)(*tuple(_d.values())))

</pallas_src>

<mosaic_0001>
#map = affine_map<(d0, d1) -> (0, 0)>
module attributes {stable_mosaic.version = 14 : i64} {
  func.func @_body(%arg0: i32, %arg1: i32, %arg2: memref<4x2048xi32, #tpu.memory_space<hbm>>, %arg3: memref<100000x1024xf32, #tpu.memory_space<hbm>>, %arg4: memref<8192x1024xf32, #tpu.memory_space<hbm>>, %arg5: memref<256xi32, #tpu.memory_space<vmem>>, %arg6: memref<32x1024xf32, #tpu.memory_space<vmem>>, %arg7: memref<32x1024xf32, #tpu.memory_space<vmem>>, %arg8: memref<32x1024xf32, #tpu.memory_space<vmem>>, %arg9: memref<!tpu.dma_semaphore, #tpu.memory_space<semaphore_mem>>, %arg10: memref<!tpu.dma_semaphore, #tpu.memory_space<semaphore_mem>>, %arg11: memref<!tpu.dma_semaphore, #tpu.memory_space<semaphore_mem>>, %arg12: memref<!tpu.dma_semaphore, #tpu.memory_space<semaphore_mem>>, %arg13: memref<!tpu.dma_semaphore, #tpu.memory_space<semaphore_mem>>, %arg14: memref<!tpu.dma_semaphore, #tpu.memory_space<semaphore_mem>>) attributes {dimension_semantics = [#tpu.dimension_semantics<core_parallel>, #tpu.dimension_semantics<subcore_parallel>], iteration_bounds = array<i64: 2, 16>, scalar_prefetch = 0 : i64, scratch_operands = 10 : i64, tpu.core_type = #tpu.core_type<sc_vector_subcore>, window_params = [{transform_indices = #map}, {transform_indices = #map}, {transform_indices = #map}]} {
    %mul3A = arith.constant 2 : i32
    %mul3A_0 = arith.muli %arg1, %mul3A : i32
    %add3A = arith.addi %mul3A_0, %arg0 : i32
    %mul3A_1 = arith.constant 256 : i32
    %mul3A_2 = arith.muli %add3A, %mul3A_1 : i32
    %jit3A = arith.constant 8 : i32
    %div3A = arith.divsi %add3A, %jit3A : i32
    %sign3A = arith.constant 0 : i32
    %sign3A_3 = arith.cmpi sgt, %add3A, %sign3A : i32
    %sign3A_4 = arith.extui %sign3A_3 : i1 to i32
    %sign3A_5 = arith.constant 0 : i32
    %sign3A_6 = arith.cmpi slt, %add3A, %sign3A_5 : i32
    %sign3A_7 = arith.extui %sign3A_6 : i1 to i32
    %sign3A_8 = arith.subi %sign3A_4, %sign3A_7 : i32
    %sign3A_9 = arith.constant 0 : i32
    %sign3A_10 = arith.cmpi sgt, %jit3A, %sign3A_9 : i32
    %sign3A_11 = arith.extui %sign3A_10 : i1 to i32
    %sign3A_12 = arith.constant 0 : i32
    %sign3A_13 = arith.cmpi slt, %jit3A, %sign3A_12 : i32
    %sign3A_14 = arith.extui %sign3A_13 : i1 to i32
    %sign3A_15 = arith.subi %sign3A_11, %sign3A_14 : i32
    %ne3A = arith.cmpi ne, %sign3A_8, %sign3A_15 : i32
    %rem3A = arith.remsi %add3A, %jit3A : i32
    %ne3A_16 = arith.constant 0 : i32
    %ne3A_17 = arith.cmpi ne, %rem3A, %ne3A_16 : i32
    %and3A = arith.andi %ne3A, %ne3A_17 : i1
    %sub3A = arith.constant 1 : i32
    %sub3A_18 = arith.subi %div3A, %sub3A : i32
    %select_n3A = arith.select %and3A, %sub3A_18, %div3A : i32
    %jit3A_19 = arith.constant 8 : i32
    %eq3A = arith.constant 0 : i32
    %eq3A_20 = arith.cmpi eq, %jit3A_19, %eq3A : i32
    %jit3A_21 = arith.constant 1 : i32
    %select_n3A_22 = arith.select %eq3A_20, %jit3A_21, %jit3A_19 : i32
    %rem3A_23 = arith.remsi %add3A, %select_n3A_22 : i32
    %ne3A_24 = arith.constant 0 : i32
    %ne3A_25 = arith.cmpi ne, %rem3A_23, %ne3A_24 : i32
    %lt3A = arith.constant 0 : i32
    %lt3A_26 = arith.cmpi slt, %rem3A_23, %lt3A : i32
    %lt3A_27 = arith.constant 0 : i32
    %lt3A_28 = arith.cmpi slt, %select_n3A_22, %lt3A_27 : i32
    %ne3A_29 = arith.xori %lt3A_26, %lt3A_28 : i1
    %and3A_30 = arith.andi %ne3A_29, %ne3A_25 : i1
    %add3A_31 = arith.addi %rem3A_23, %select_n3A_22 : i32
    %select_n3A_32 = arith.select %and3A_30, %add3A_31, %rem3A_23 : i32
    %mul3A_33 = arith.constant 256 : i32
    %mul3A_34 = arith.muli %select_n3A_32, %mul3A_33 : i32
    "tpu.region"() ({
      %run_scoped3A = tpu.sem_alloc : memref<!tpu.dma_semaphore, #tpu.memory_space<semaphore_mem>>
      %dma_start3A_104 = tpu.memref_slice %arg2[%select_n3A, %mul3A_34] : memref<4x2048xi32, #tpu.memory_space<hbm>> -> memref<1x256xi32, #tpu.memory_space<hbm>>
      %dma_start3A_105 = tpu.memref_squeeze %dma_start3A_104 : memref<1x256xi32, #tpu.memory_space<hbm>> -> memref<256xi32, #tpu.memory_space<hbm>>
      %dma_start3A_106 = tpu.memref_slice %arg2[%select_n3A, %mul3A_34] : memref<4x2048xi32, #tpu.memory_space<hbm>> -> memref<1x256xi32, #tpu.memory_space<hbm>>
      %dma_start3A_107 = tpu.memref_squeeze %dma_start3A_106 : memref<1x256xi32, #tpu.memory_space<hbm>> -> memref<256xi32, #tpu.memory_space<hbm>>
      tpu.enqueue_dma source(%dma_start3A_107 : memref<256xi32, #tpu.memory_space<hbm>>) target(%arg5 : memref<256xi32, #tpu.memory_space<vmem>>) target_semaphore(%run_scoped3A : memref<!tpu.dma_semaphore, #tpu.memory_space<semaphore_mem>>)
      %dma_wait3A_108 = tpu.memref_slice %arg2[%select_n3A, %mul3A_34] : memref<4x2048xi32, #tpu.memory_space<hbm>> -> memref<1x256xi32, #tpu.memory_space<hbm>>
      %dma_wait3A_109 = tpu.memref_squeeze %dma_wait3A_108 : memref<1x256xi32, #tpu.memory_space<hbm>> -> memref<256xi32, #tpu.memory_space<hbm>>
      %dma_wait3A_110 = tpu.memref_slice %arg2[%select_n3A, %mul3A_34] : memref<4x2048xi32, #tpu.memory_space<hbm>> -> memref<1x256xi32, #tpu.memory_space<hbm>>
      %dma_wait3A_111 = tpu.memref_squeeze %dma_wait3A_110 : memref<1x256xi32, #tpu.memory_space<hbm>> -> memref<256xi32, #tpu.memory_space<hbm>>
      tpu.wait_dma2 semaphore(%run_scoped3A : memref<!tpu.dma_semaphore, #tpu.memory_space<semaphore_mem>>) src(%dma_wait3A_111 : memref<256xi32, #tpu.memory_space<hbm>>) dst(%arg5 : memref<256xi32, #tpu.memory_space<vmem>>)
      tpu.yield
    }) : () -> ()
    %dma_start3A = arith.constant 0 : i32
    %dma_start3A_35 = tpu.memref_slice %arg5[%dma_start3A] : memref<256xi32, #tpu.memory_space<vmem>> -> memref<32xi32, #tpu.memory_space<vmem>>
    %dma_start3A_36 = arith.constant 0 : i32
    %dma_start3A_37 = arith.constant 0 : i32
    %dma_start3A_38 = tpu.memref_slice %arg3[%dma_start3A_36, %dma_start3A_37] : memref<100000x1024xf32, #tpu.memory_space<hbm>> -> memref<100000x1024xf32, #tpu.memory_space<hbm>>
    tpu.enqueue_indirect_dma source(%dma_start3A_38 : memref<100000x1024xf32, #tpu.memory_space<hbm>>) target(%arg6 : memref<32x1024xf32, #tpu.memory_space<vmem>>) offsets(%dma_start3A_35 : memref<32xi32, #tpu.memory_space<vmem>>) semaphore(%arg9 : memref<!tpu.dma_semaphore, #tpu.memory_space<semaphore_mem>>)
    %dma_start3A_39 = arith.constant 32 : i32
    %dma_start3A_40 = tpu.memref_slice %arg5[%dma_start3A_39] : memref<256xi32, #tpu.memory_space<vmem>> -> memref<32xi32, #tpu.memory_space<vmem>>
    %dma_start3A_41 = arith.constant 0 : i32
    %dma_start3A_42 = arith.constant 0 : i32
    %dma_start3A_43 = tpu.memref_slice %arg3[%dma_start3A_41, %dma_start3A_42] : memref<100000x1024xf32, #tpu.memory_space<hbm>> -> memref<100000x1024xf32, #tpu.memory_space<hbm>>
    tpu.enqueue_indirect_dma source(%dma_start3A_43 : memref<100000x1024xf32, #tpu.memory_space<hbm>>) target(%arg7 : memref<32x1024xf32, #tpu.memory_space<vmem>>) offsets(%dma_start3A_40 : memref<32xi32, #tpu.memory_space<vmem>>) semaphore(%arg10 : memref<!tpu.dma_semaphore, #tpu.memory_space<semaphore_mem>>)
    %dma_wait3A = arith.constant 0 : i32
    %dma_wait3A_44 = tpu.memref_slice %arg5[%dma_wait3A] : memref<256xi32, #tpu.memory_space<vmem>> -> memref<32xi32, #tpu.memory_space<vmem>>
    %dma_wait3A_45 = arith.constant 0 : i32
    %dma_wait3A_46 = arith.constant 0 : i32
    %dma_wait3A_47 = tpu.memref_slice %arg3[%dma_wait3A_45, %dma_wait3A_46] : memref<100000x1024xf32, #tpu.memory_space<hbm>> -> memref<100000x1024xf32, #tpu.memory_space<hbm>>
    tpu.wait_indirect_dma semaphore(%arg9 : memref<!tpu.dma_semaphore, #tpu.memory_space<semaphore_mem>>) src(%dma_wait3A_47 : memref<100000x1024xf32, #tpu.memory_space<hbm>>) dst(%arg6 : memref<32x1024xf32, #tpu.memory_space<vmem>>)
    %scan3A = arith.constant 0 : i32
    %scan3A_48 = arith.constant 0 : i32
    %scan3A_49 = arith.constant 32 : i32
    %scan3A_50 = arith.addi %scan3A_48, %scan3A_49 : i32
    %scan3A_51 = arith.constant 1 : i32
    scf.for %scan3A_104 = %scan3A_48 to %scan3A_50 step %scan3A_51  : i32 {
      %scan3A_105 = arith.constant 0 : i32
      %scan3A_106 = arith.constant 64 : i32
      %scan3A_107 = arith.addi %scan3A_105, %scan3A_106 : i32
      %scan3A_108 = arith.constant 8 : i32
      scf.for %scan3A_110 = %scan3A_105 to %scan3A_107 step %scan3A_108  : i32 {
        %mul3A_111 = arith.constant 16 : i32
        %mul3A_112 = arith.muli %scan3A_110, %mul3A_111 : i32
        %get3A = arith.index_cast %scan3A_104 : i32 to index
        %get3A_113 = arith.index_cast %mul3A_112 : i32 to index
        %get3A_114 = tpu.vector_load %arg6[%get3A, %get3A_113] {strides = array<i32>} : memref<32x1024xf32, #tpu.memory_space<vmem>>, vector<1x16xf32>,
        %get3A_115 = vector.shape_cast %get3A_114 : vector<1x16xf32> to vector<16xf32>
        %mul3A_116 = arith.constant 3.200000e+01 : f32
        %mul3A_117 = vector.broadcast %mul3A_116 : f32 to vector<16xf32>
        %mul3A_118 = arith.mulf %get3A_115, %mul3A_117 : vector<16xf32>
        %swap3A = arith.index_cast %scan3A_104 : i32 to index
        %swap3A_119 = arith.index_cast %mul3A_112 : i32 to index
        %swap3A_120 = tpu.vector_load %arg6[%swap3A, %swap3A_119] {strides = array<i32>} : memref<32x1024xf32, #tpu.memory_space<vmem>>, vector<1x16xf32>,
        %swap3A_121 = vector.shape_cast %swap3A_120 : vector<1x16xf32> to vector<16xf32>
        %swap3A_122 = vector.shape_cast %mul3A_118 : vector<16xf32> to vector<1x16xf32>
        tpu.vector_store %arg6[%swap3A, %swap3A_119], %swap3A_122 {strides = array<i32>} : memref<32x1024xf32, #tpu.memory_space<vmem>>, vector<1x16xf32>,
        %scan3A_123 = arith.constant 1 : i32
        %scan3A_124 = arith.addi %scan3A_110, %scan3A_123 : i32
        %mul3A_125 = arith.constant 16 : i32
        %mul3A_126 = arith.muli %scan3A_124, %mul3A_125 : i32
        %get3A_127 = arith.index_cast %scan3A_104 : i32 to index
        %get3A_128 = arith.index_cast %mul3A_126 : i32 to index
        %get3A_129 = tpu.vector_load %arg6[%get3A_127, %get3A_128] {strides = array<i32>} : memref<32x1024xf32, #tpu.memory_space<vmem>>, vector<1x16xf32>,
        %get3A_130 = vector.shape_cast %get3A_129 : vector<1x16xf32> to vector<16xf32>
        %mul3A_131 = arith.constant 3.200000e+01 : f32
        %mul3A_132 = vector.broadcast %mul3A_131 : f32 to vector<16xf32>
        %mul3A_133 = arith.mulf %get3A_130, %mul3A_132 : vector<16xf32>
        %swap3A_134 = arith.index_cast %scan3A_104 : i32 to index
        %swap3A_135 = arith.index_cast %mul3A_126 : i32 to index
        %swap3A_136 = tpu.vector_load %arg6[%swap3A_134, %swap3A_135] {strides = array<i32>} : memref<32x1024xf32, #tpu.memory_space<vmem>>, vector<1x16xf32>,
        %swap3A_137 = vector.shape_cast %swap3A_136 : vector<1x16xf32> to vector<16xf32>
        %swap3A_138 = vector.shape_cast %mul3A_133 : vector<16xf32> to vector<1x16xf32>
        tpu.vector_store %arg6[%swap3A_134, %swap3A_135], %swap3A_138 {strides = array<i32>} : memref<32x1024xf32, #tpu.memory_space<vmem>>, vector<1x16xf32>,
        %scan3A_139 = arith.constant 2 : i32
        %scan3A_140 = arith.addi %scan3A_110, %scan3A_139 : i32
        %mul3A_141 = arith.constant 16 : i32
        %mul3A_142 = arith.muli %scan3A_140, %mul3A_141 : i32
        %get3A_143 = arith.index_cast %scan3A_104 : i32 to index
        %get3A_144 = arith.index_cast %mul3A_142 : i32 to index
        %get3A_145 = tpu.vector_load %arg6[%get3A_143, %get3A_144] {strides = array<i32>} : memref<32x1024xf32, #tpu.memory_space<vmem>>, vector<1x16xf32>,
        %get3A_146 = vector.shape_cast %get3A_145 : vector<1x16xf32> to vector<16xf32>
        %mul3A_147 = arith.constant 3.200000e+01 : f32
        %mul3A_148 = vector.broadcast %mul3A_147 : f32 to vector<16xf32>
        %mul3A_149 = arith.mulf %get3A_146, %mul3A_148 : vector<16xf32>
        %swap3A_150 = arith.index_cast %scan3A_104 : i32 to index
        %swap3A_151 = arith.index_cast %mul3A_142 : i32 to index
        %swap3A_152 = tpu.vector_load %arg6[%swap3A_150, %swap3A_151] {strides = array<i32>} : memref<32x1024xf32, #tpu.memory_space<vmem>>, vector<1x16xf32>,
        %swap3A_153 = vector.shape_cast %swap3A_152 : vector<1x16xf32> to vector<16xf32>
        %swap3A_154 = vector.shape_cast %mul3A_149 : vector<16xf32> to vector<1x16xf32>
        tpu.vector_store %arg6[%swap3A_150, %swap3A_151], %swap3A_154 {strides = array<i32>} : memref<32x1024xf32, #tpu.memory_space<vmem>>, vector<1x16xf32>,
        %scan3A_155 = arith.constant 3 : i32
        %scan3A_156 = arith.addi %scan3A_110, %scan3A_155 : i32
        %mul3A_157 = arith.constant 16 : i32
        %mul3A_158 = arith.muli %scan3A_156, %mul3A_157 : i32
        %get3A_159 = arith.index_cast %scan3A_104 : i32 to index
        %get3A_160 = arith.index_cast %mul3A_158 : i32 to index
        %get3A_161 = tpu.vector_load %arg6[%get3A_159, %get3A_160] {strides = array<i32>} : memref<32x1024xf32, #tpu.memory_space<vmem>>, vector<1x16xf32>,
        %get3A_162 = vector.shape_cast %get3A_161 : vector<1x16xf32> to vector<16xf32>
        %mul3A_163 = arith.constant 3.200000e+01 : f32
        %mul3A_164 = vector.broadcast %mul3A_163 : f32 to vector<16xf32>
        %mul3A_165 = arith.mulf %get3A_162, %mul3A_164 : vector<16xf32>
        %swap3A_166 = arith.index_cast %scan3A_104 : i32 to index
        %swap3A_167 = arith.index_cast %mul3A_158 : i32 to index
        %swap3A_168 = tpu.vector_load %arg6[%swap3A_166, %swap3A_167] {strides = array<i32>} : memref<32x1024xf32, #tpu.memory_space<vmem>>, vector<1x16xf32>,
        %swap3A_169 = vector.shape_cast %swap3A_168 : vector<1x16xf32> to vector<16xf32>
        %swap3A_170 = vector.shape_cast %mul3A_165 : vector<16xf32> to vector<1x16xf32>
        tpu.vector_store %arg6[%swap3A_166, %swap3A_167], %swap3A_170 {strides = array<i32>} : memref<32x1024xf32, #tpu.memory_space<vmem>>, vector<1x16xf32>,
        %scan3A_171 = arith.constant 4 : i32
        %scan3A_172 = arith.addi %scan3A_110, %scan3A_171 : i32
        %mul3A_173 = arith.constant 16 : i32
        %mul3A_174 = arith.muli %scan3A_172, %mul3A_173 : i32
        %get3A_175 = arith.index_cast %scan3A_104 : i32 to index
        %get3A_176 = arith.index_cast %mul3A_174 : i32 to index
        %get3A_177 = tpu.vector_load %arg6[%get3A_175, %get3A_176] {strides = array<i32>} : memref<32x1024xf32, #tpu.memory_space<vmem>>, vector<1x16xf32>,
        %get3A_178 = vector.shape_cast %get3A_177 : vector<1x16xf32> to vector<16xf32>
        %mul3A_179 = arith.constant 3.200000e+01 : f32
        %mul3A_180 = vector.broadcast %mul3A_179 : f32 to vector<16xf32>
        %mul3A_181 = arith.mulf %get3A_178, %mul3A_180 : vector<16xf32>
        %swap3A_182 = arith.index_cast %scan3A_104 : i32 to index
        %swap3A_183 = arith.index_cast %mul3A_174 : i32 to index
        %swap3A_184 = tpu.vector_load %arg6[%swap3A_182, %swap3A_183] {strides = array<i32>} : memref<32x1024xf32, #tpu.memory_space<vmem>>, vector<1x16xf32>,
        %swap3A_185 = vector.shape_cast %swap3A_184 : vector<1x16xf32> to vector<16xf32>
        %swap3A_186 = vector.shape_cast %mul3A_181 : vector<16xf32> to vector<1x16xf32>
        tpu.vector_store %arg6[%swap3A_182, %swap3A_183], %swap3A_186 {strides = array<i32>} : memref<32x1024xf32, #tpu.memory_space<vmem>>, vector<1x16xf32>,
        %scan3A_187 = arith.constant 5 : i32
        %scan3A_188 = arith.addi %scan3A_110, %scan3A_187 : i32
        %mul3A_189 = arith.constant 16 : i32
        %mul3A_190 = arith.muli %scan3A_188, %mul3A_189 : i32
        %get3A_191 = arith.index_cast %scan3A_104 : i32 to index
        %get3A_192 = arith.index_cast %mul3A_190 : i32 to index
        %get3A_193 = tpu.vector_load %arg6[%get3A_191, %get3A_192] {strides = array<i32>} : memref<32x1024xf32, #tpu.memory_space<vmem>>, vector<1x16xf32>,
        %get3A_194 = vector.shape_cast %get3A_193 : vector<1x16xf32> to vector<16xf32>
        %mul3A_195 = arith.constant 3.200000e+01 : f32
        %mul3A_196 = vector.broadcast %mul3A_195 : f32 to vector<16xf32>
        %mul3A_197 = arith.mulf %get3A_194, %mul3A_196 : vector<16xf32>
        %swap3A_198 = arith.index_cast %scan3A_104 : i32 to index
        %swap3A_199 = arith.index_cast %mul3A_190 : i32 to index
        %swap3A_200 = tpu.vector_load %arg6[%swap3A_198, %swap3A_199] {strides = array<i32>} : memref<32x1024xf32, #tpu.memory_space<vmem>>, vector<1x16xf32>,
        %swap3A_201 = vector.shape_cast %swap3A_200 : vector<1x16xf32> to vector<16xf32>
        %swap3A_202 = vector.shape_cast %mul3A_197 : vector<16xf32> to vector<1x16xf32>
        tpu.vector_store %arg6[%swap3A_198, %swap3A_199], %swap3A_202 {strides = array<i32>} : memref<32x1024xf32, #tpu.memory_space<vmem>>, vector<1x16xf32>,
        %scan3A_203 = arith.constant 6 : i32
        %scan3A_204 = arith.addi %scan3A_110, %scan3A_203 : i32
        %mul3A_205 = arith.constant 16 : i32
        %mul3A_206 = arith.muli %scan3A_204, %mul3A_205 : i32
        %get3A_207 = arith.index_cast %scan3A_104 : i32 to index
        %get3A_208 = arith.index_cast %mul3A_206 : i32 to index
        %get3A_209 = tpu.vector_load %arg6[%get3A_207, %get3A_208] {strides = array<i32>} : memref<32x1024xf32, #tpu.memory_space<vmem>>, vector<1x16xf32>,
        %get3A_210 = vector.shape_cast %get3A_209 : vector<1x16xf32> to vector<16xf32>
        %mul3A_211 = arith.constant 3.200000e+01 : f32
        %mul3A_212 = vector.broadcast %mul3A_211 : f32 to vector<16xf32>
        %mul3A_213 = arith.mulf %get3A_210, %mul3A_212 : vector<16xf32>
        %swap3A_214 = arith.index_cast %scan3A_104 : i32 to index
        %swap3A_215 = arith.index_cast %mul3A_206 : i32 to index
        %swap3A_216 = tpu.vector_load %arg6[%swap3A_214, %swap3A_215] {strides = array<i32>} : memref<32x1024xf32, #tpu.memory_space<vmem>>, vector<1x16xf32>,
        %swap3A_217 = vector.shape_cast %swap3A_216 : vector<1x16xf32> to vector<16xf32>
        %swap3A_218 = vector.shape_cast %mul3A_213 : vector<16xf32> to vector<1x16xf32>
        tpu.vector_store %arg6[%swap3A_214, %swap3A_215], %swap3A_218 {strides = array<i32>} : memref<32x1024xf32, #tpu.memory_space<vmem>>, vector<1x16xf32>,
        %scan3A_219 = arith.constant 7 : i32
        %scan3A_220 = arith.addi %scan3A_110, %scan3A_219 : i32
        %mul3A_221 = arith.constant 16 : i32
        %mul3A_222 = arith.muli %scan3A_220, %mul3A_221 : i32
        %get3A_223 = arith.index_cast %scan3A_104 : i32 to index
        %get3A_224 = arith.index_cast %mul3A_222 : i32 to index
        %get3A_225 = tpu.vector_load %arg6[%get3A_223, %get3A_224] {strides = array<i32>} : memref<32x1024xf32, #tpu.memory_space<vmem>>, vector<1x16xf32>,
        %get3A_226 = vector.shape_cast %get3A_225 : vector<1x16xf32> to vector<16xf32>
        %mul3A_227 = arith.constant 3.200000e+01 : f32
        %mul3A_228 = vector.broadcast %mul3A_227 : f32 to vector<16xf32>
        %mul3A_229 = arith.mulf %get3A_226, %mul3A_228 : vector<16xf32>
        %swap3A_230 = arith.index_cast %scan3A_104 : i32 to index
        %swap3A_231 = arith.index_cast %mul3A_222 : i32 to index
        %swap3A_232 = tpu.vector_load %arg6[%swap3A_230, %swap3A_231] {strides = array<i32>} : memref<32x1024xf32, #tpu.memory_space<vmem>>, vector<1x16xf32>,
        %swap3A_233 = vector.shape_cast %swap3A_232 : vector<1x16xf32> to vector<16xf32>
        %swap3A_234 = vector.shape_cast %mul3A_229 : vector<16xf32> to vector<1x16xf32>
        tpu.vector_store %arg6[%swap3A_230, %swap3A_231], %swap3A_234 {strides = array<i32>} : memref<32x1024xf32, #tpu.memory_space<vmem>>, vector<1x16xf32>,
      }
      %scan3A_109 = arith.constant 64 : i32
    }
    %scan3A_52 = arith.constant 32 : i32
    %dma_start3A_53 = arith.constant 64 : i32
    %dma_start3A_54 = tpu.memref_slice %arg5[%dma_start3A_53] : memref<256xi32, #tpu.memory_space<vmem>> -> memref<32xi32, #tpu.memory_space<vmem>>
    %dma_start3A_55 = arith.constant 0 : i32
    %dma_start3A_56 = arith.constant 0 : i32
    %dma_start3A_57 = tpu.memref_slice %arg3[%dma_start3A_55, %dma_start3A_56] : memref<100000x1024xf32, #tpu.memory_space<hbm>> -> memref<100000x1024xf32, #tpu.memory_space<hbm>>
    tpu.enqueue_indirect_dma source(%dma_start3A_57 : memref<100000x1024xf32, #tpu.memory_space<hbm>>) target(%arg8 : memref<32x1024xf32, #tpu.memory_space<vmem>>) offsets(%dma_start3A_54 : memref<32xi32, #tpu.memory_space<vmem>>) semaphore(%arg11 : memref<!tpu.dma_semaphore, #tpu.memory_space<semaphore_mem>>)
    %add3A_58 = arith.constant 0 : i32
    %add3A_59 = arith.addi %mul3A_2, %add3A_58 : i32
    %dma_start3A_60 = arith.constant 0 : i32
    %dma_start3A_61 = tpu.memref_slice %arg4[%add3A_59, %dma_start3A_60] : memref<8192x1024xf32, #tpu.memory_space<hbm>> -> memref<32x1024xf32, #tpu.memory_space<hbm>>
    %dma_start3A_62 = arith.constant 0 : i32
    %dma_start3A_63 = tpu.memref_slice %arg4[%add3A_59, %dma_start3A_62] : memref<8192x1024xf32, #tpu.memory_space<hbm>> -> memref<32x1024xf32, #tpu.memory_space<hbm>>
    tpu.enqueue_dma source(%arg6 : memref<32x1024xf32, #tpu.memory_space<vmem>>) target(%dma_start3A_63 : memref<32x1024xf32, #tpu.memory_space<hbm>>) target_semaphore(%arg12 : memref<!tpu.dma_semaphore, #tpu.memory_space<semaphore_mem>>)
    %dma_wait3A_64 = arith.constant 32 : i32
    %dma_wait3A_65 = tpu.memref_slice %arg5[%dma_wait3A_64] : memref<256xi32, #tpu.memory_space<vmem>> -> memref<32xi32, #tpu.memory_space<vmem>>
    %dma_wait3A_66 = arith.constant 0 : i32
    %dma_wait3A_67 = arith.constant 0 : i32
    %dma_wait3A_68 = tpu.memref_slice %arg3[%dma_wait3A_66, %dma_wait3A_67] : memref<100000x1024xf32, #tpu.memory_space<hbm>> -> memref<100000x1024xf32, #tpu.memory_space<hbm>>
    tpu.wait_indirect_dma semaphore(%arg10 : memref<!tpu.dma_semaphore, #tpu.memory_space<semaphore_mem>>) src(%dma_wait3A_68 : memref<100000x1024xf32, #tpu.memory_space<hbm>>) dst(%arg7 : memref<32x1024xf32, #tpu.memory_space<vmem>>)
    %scan3A_69 = arith.constant 0 : i32
    %scan3A_70 = arith.constant 0 : i32
    %scan3A_71 = arith.constant 32 : i32
    %scan3A_72 = arith.addi %scan3A_70, %scan3A_71 : i32
    %scan3A_73 = arith.constant 1 : i32
    scf.for %scan3A_104 = %scan3A_70 to %scan3A_72 step %scan3A_73  : i32 {
      %scan3A_105 = arith.constant 0 : i32
      %scan3A_106 = arith.constant 64 : i32
      %scan3A_107 = arith.addi %scan3A_105, %scan3A_106 : i32
      %scan3A_108 = arith.constant 8 : i32
      scf.for %scan3A_110 = %scan3A_105 to %scan3A_107 step %scan3A_108  : i32 {
        %mul3A_111 = arith.constant 16 : i32
        %mul3A_112 = arith.muli %scan3A_110, %mul3A_111 : i32
        %get3A = arith.index_cast %scan3A_104 : i32 to index
        %get3A_113 = arith.index_cast %mul3A_112 : i32 to index
        %get3A_114 = tpu.vector_load %arg7[%get3A, %get3A_113] {strides = array<i32>} : memref<32x1024xf32, #tpu.memory_space<vmem>>, vector<1x16xf32>,
        %get3A_115 = vector.shape_cast %get3A_114 : vector<1x16xf32> to vector<16xf32>
        %mul3A_116 = arith.constant 3.200000e+01 : f32
        %mul3A_117 = vector.broadcast %mul3A_116 : f32 to vector<16xf32>
        %mul3A_118 = arith.mulf %get3A_115, %mul3A_117 : vector<16xf32>
        %swap3A = arith.index_cast %scan3A_104 : i32 to index
        %swap3A_119 = arith.index_cast %mul3A_112 : i32 to index
        %swap3A_120 = tpu.vector_load %arg7[%swap3A, %swap3A_119] {strides = array<i32>} : memref<32x1024xf32, #tpu.memory_space<vmem>>, vector<1x16xf32>,
        %swap3A_121 = vector.shape_cast %swap3A_120 : vector<1x16xf32> to vector<16xf32>
        %swap3A_122 = vector.shape_cast %mul3A_118 : vector<16xf32> to vector<1x16xf32>
        tpu.vector_store %arg7[%swap3A, %swap3A_119], %swap3A_122 {strides = array<i32>} : memref<32x1024xf32, #tpu.memory_space<vmem>>, vector<1x16xf32>,
        %scan3A_123 = arith.constant 1 : i32
        %scan3A_124 = arith.addi %scan3A_110, %scan3A_123 : i32
        %mul3A_125 = arith.constant 16 : i32
        %mul3A_126 = arith.muli %scan3A_124, %mul3A_125 : i32
        %get3A_127 = arith.index_cast %scan3A_104 : i32 to index
        %get3A_128 = arith.index_cast %mul3A_126 : i32 to index
        %get3A_129 = tpu.vector_load %arg7[%get3A_127, %get3A_128] {strides = array<i32>} : memref<32x1024xf32, #tpu.memory_space<vmem>>, vector<1x16xf32>,
        %get3A_130 = vector.shape_cast %get3A_129 : vector<1x16xf32> to vector<16xf32>
        %mul3A_131 = arith.constant 3.200000e+01 : f32
        %mul3A_132 = vector.broadcast %mul3A_131 : f32 to vector<16xf32>
        %mul3A_133 = arith.mulf %get3A_130, %mul3A_132 : vector<16xf32>
        %swap3A_134 = arith.index_cast %scan3A_104 : i32 to index
        %swap3A_135 = arith.index_cast %mul3A_126 : i32 to index
        %swap3A_136 = tpu.vector_load %arg7[%swap3A_134, %swap3A_135] {strides = array<i32>} : memref<32x1024xf32, #tpu.memory_space<vmem>>, vector<1x16xf32>,
        %swap3A_137 = vector.shape_cast %swap3A_136 : vector<1x16xf32> to vector<16xf32>
        %swap3A_138 = vector.shape_cast %mul3A_133 : vector<16xf32> to vector<1x16xf32>
        tpu.vector_store %arg7[%swap3A_134, %swap3A_135], %swap3A_138 {strides = array<i32>} : memref<32x1024xf32, #tpu.memory_space<vmem>>, vector<1x16xf32>,
        %scan3A_139 = arith.constant 2 : i32
        %scan3A_140 = arith.addi %scan3A_110, %scan3A_139 : i32
        %mul3A_141 = arith.constant 16 : i32
        %mul3A_142 = arith.muli %scan3A_140, %mul3A_141 : i32
        %get3A_143 = arith.index_cast %scan3A_104 : i32 to index
        %get3A_144 = arith.index_cast %mul3A_142 : i32 to index
        %get3A_145 = tpu.vector_load %arg7[%get3A_143, %get3A_144] {strides = array<i32>} : memref<32x1024xf32, #tpu.memory_space<vmem>>, vector<1x16xf32>,
        %get3A_146 = vector.shape_cast %get3A_145 : vector<1x16xf32> to vector<16xf32>
        %mul3A_147 = arith.constant 3.200000e+01 : f32
        %mul3A_148 = vector.broadcast %mul3A_147 : f32 to vector<16xf32>
        %mul3A_149 = arith.mulf %get3A_146, %mul3A_148 : vector<16xf32>
        %swap3A_150 = arith.index_cast %scan3A_104 : i32 to index
        %swap3A_151 = arith.index_cast %mul3A_142 : i32 to index
        %swap3A_152 = tpu.vector_load %arg7[%swap3A_150, %swap3A_151] {strides = array<i32>} : memref<32x1024xf32, #tpu.memory_space<vmem>>, vector<1x16xf32>,
        %swap3A_153 = vector.shape_cast %swap3A_152 : vector<1x16xf32> to vector<16xf32>
        %swap3A_154 = vector.shape_cast %mul3A_149 : vector<16xf32> to vector<1x16xf32>
        tpu.vector_store %arg7[%swap3A_150, %swap3A_151], %swap3A_154 {strides = array<i32>} : memref<32x1024xf32, #tpu.memory_space<vmem>>, vector<1x16xf32>,
        %scan3A_155 = arith.constant 3 : i32
        %scan3A_156 = arith.addi %scan3A_110, %scan3A_155 : i32
        %mul3A_157 = arith.constant 16 : i32
        %mul3A_158 = arith.muli %scan3A_156, %mul3A_157 : i32
        %get3A_159 = arith.index_cast %scan3A_104 : i32 to index
        %get3A_160 = arith.index_cast %mul3A_158 : i32 to index
        %get3A_161 = tpu.vector_load %arg7[%get3A_159, %get3A_160] {strides = array<i32>} : memref<32x1024xf32, #tpu.memory_space<vmem>>, vector<1x16xf32>,
        %get3A_162 = vector.shape_cast %get3A_161 : vector<1x16xf32> to vector<16xf32>
        %mul3A_163 = arith.constant 3.200000e+01 : f32
        %mul3A_164 = vector.broadcast %mul3A_163 : f32 to vector<16xf32>
        %mul3A_165 = arith.mulf %get3A_162, %mul3A_164 : vector<16xf32>
        %swap3A_166 = arith.index_cast %scan3A_104 : i32 to index
        %swap3A_167 = arith.index_cast %mul3A_158 : i32 to index
        %swap3A_168 = tpu.vector_load %arg7[%swap3A_166, %swap3A_167] {strides = array<i32>} : memref<32x1024xf32, #tpu.memory_space<vmem>>, vector<1x16xf32>,
        %swap3A_169 = vector.shape_cast %swap3A_168 : vector<1x16xf32> to vector<16xf32>
        %swap3A_170 = vector.shape_cast %mul3A_165 : vector<16xf32> to vector<1x16xf32>
        tpu.vector_store %arg7[%swap3A_166, %swap3A_167], %swap3A_170 {strides = array<i32>} : memref<32x1024xf32, #tpu.memory_space<vmem>>, vector<1x16xf32>,
        %scan3A_171 = arith.constant 4 : i32
        %scan3A_172 = arith.addi %scan3A_110, %scan3A_171 : i32
        %mul3A_173 = arith.constant 16 : i32
        %mul3A_174 = arith.muli %scan3A_172, %mul3A_173 : i32
        %get3A_175 = arith.index_cast %scan3A_104 : i32 to index
        %get3A_176 = arith.index_cast %mul3A_174 : i32 to index
        %get3A_177 = tpu.vector_load %arg7[%get3A_175, %get3A_176] {strides = array<i32>} : memref<32x1024xf32, #tpu.memory_space<vmem>>, vector<1x16xf32>,
        %get3A_178 = vector.shape_cast %get3A_177 : vector<1x16xf32> to vector<16xf32>
        %mul3A_179 = arith.constant 3.200000e+01 : f32
        %mul3A_180 = vector.broadcast %mul3A_179 : f32 to vector<16xf32>
        %mul3A_181 = arith.mulf %get3A_178, %mul3A_180 : vector<16xf32>
        %swap3A_182 = arith.index_cast %scan3A_104 : i32 to index
        %swap3A_183 = arith.index_cast %mul3A_174 : i32 to index
        %swap3A_184 = tpu.vector_load %arg7[%swap3A_182, %swap3A_183] {strides = array<i32>} : memref<32x1024xf32, #tpu.memory_space<vmem>>, vector<1x16xf32>,
        %swap3A_185 = vector.shape_cast %swap3A_184 : vector<1x16xf32> to vector<16xf32>
        %swap3A_186 = vector.shape_cast %mul3A_181 : vector<16xf32> to vector<1x16xf32>
        tpu.vector_store %arg7[%swap3A_182, %swap3A_183], %swap3A_186 {strides = array<i32>} : memref<32x1024xf32, #tpu.memory_space<vmem>>, vector<1x16xf32>,
        %scan3A_187 = arith.constant 5 : i32
        %scan3A_188 = arith.addi %scan3A_110, %scan3A_187 : i32
        %mul3A_189 = arith.constant 16 : i32
        %mul3A_190 = arith.muli %scan3A_188, %mul3A_189 : i32
        %get3A_191 = arith.index_cast %scan3A_104 : i32 to index
        %get3A_192 = arith.index_cast %mul3A_190 : i32 to index
        %get3A_193 = tpu.vector_load %arg7[%get3A_191, %get3A_192] {strides = array<i32>} : memref<32x1024xf32, #tpu.memory_space<vmem>>, vector<1x16xf32>,
        %get3A_194 = vector.shape_cast %get3A_193 : vector<1x16xf32> to vector<16xf32>
        %mul3A_195 = arith.constant 3.200000e+01 : f32
        %mul3A_196 = vector.broadcast %mul3A_195 : f32 to vector<16xf32>
        %mul3A_197 = arith.mulf %get3A_194, %mul3A_196 : vector<16xf32>
        %swap3A_198 = arith.index_cast %scan3A_104 : i32 to index
        %swap3A_199 = arith.index_cast %mul3A_190 : i32 to index
        %swap3A_200 = tpu.vector_load %arg7[%swap3A_198, %swap3A_199] {strides = array<i32>} : memref<32x1024xf32, #tpu.memory_space<vmem>>, vector<1x16xf32>,
        %swap3A_201 = vector.shape_cast %swap3A_200 : vector<1x16xf32> to vector<16xf32>
        %swap3A_202 = vector.shape_cast %mul3A_197 : vector<16xf32> to vector<1x16xf32>
        tpu.vector_store %arg7[%swap3A_198, %swap3A_199], %swap3A_202 {strides = array<i32>} : memref<32x1024xf32, #tpu.memory_space<vmem>>, vector<1x16xf32>,
        %scan3A_203 = arith.constant 6 : i32
        %scan3A_204 = arith.addi %scan3A_110, %scan3A_203 : i32
        %mul3A_205 = arith.constant 16 : i32
        %mul3A_206 = arith.muli %scan3A_204, %mul3A_205 : i32
        %get3A_207 = arith.index_cast %scan3A_104 : i32 to index
        %get3A_208 = arith.index_cast %mul3A_206 : i32 to index
        %get3A_209 = tpu.vector_load %arg7[%get3A_207, %get3A_208] {strides = array<i32>} : memref<32x1024xf32, #tpu.memory_space<vmem>>, vector<1x16xf32>,
        %get3A_210 = vector.shape_cast %get3A_209 : vector<1x16xf32> to vector<16xf32>
        %mul3A_211 = arith.constant 3.200000e+01 : f32
        %mul3A_212 = vector.broadcast %mul3A_211 : f32 to vector<16xf32>
        %mul3A_213 = arith.mulf %get3A_210, %mul3A_212 : vector<16xf32>
        %swap3A_214 = arith.index_cast %scan3A_104 : i32 to index
        %swap3A_215 = arith.index_cast %mul3A_206 : i32 to index
        %swap3A_216 = tpu.vector_load %arg7[%swap3A_214, %swap3A_215] {strides = array<i32>} : memref<32x1024xf32, #tpu.memory_space<vmem>>, vector<1x16xf32>,
        %swap3A_217 = vector.shape_cast %swap3A_216 : vector<1x16xf32> to vector<16xf32>
        %swap3A_218 = vector.shape_cast %mul3A_213 : vector<16xf32> to vector<1x16xf32>
        tpu.vector_store %arg7[%swap3A_214, %swap3A_215], %swap3A_218 {strides = array<i32>} : memref<32x1024xf32, #tpu.memory_space<vmem>>, vector<1x16xf32>,
        %scan3A_219 = arith.constant 7 : i32
        %scan3A_220 = arith.addi %scan3A_110, %scan3A_219 : i32
        %mul3A_221 = arith.constant 16 : i32
        %mul3A_222 = arith.muli %scan3A_220, %mul3A_221 : i32
        %get3A_223 = arith.index_cast %scan3A_104 : i32 to index
        %get3A_224 = arith.index_cast %mul3A_222 : i32 to index
        %get3A_225 = tpu.vector_load %arg7[%get3A_223, %get3A_224] {strides = array<i32>} : memref<32x1024xf32, #tpu.memory_space<vmem>>, vector<1x16xf32>,
        %get3A_226 = vector.shape_cast %get3A_225 : vector<1x16xf32> to vector<16xf32>
        %mul3A_227 = arith.constant 3.200000e+01 : f32
        %mul3A_228 = vector.broadcast %mul3A_227 : f32 to vector<16xf32>
        %mul3A_229 = arith.mulf %get3A_226, %mul3A_228 : vector<16xf32>
        %swap3A_230 = arith.index_cast %scan3A_104 : i32 to index
        %swap3A_231 = arith.index_cast %mul3A_222 : i32 to index
        %swap3A_232 = tpu.vector_load %arg7[%swap3A_230, %swap3A_231] {strides = array<i32>} : memref<32x1024xf32, #tpu.memory_space<vmem>>, vector<1x16xf32>,
        %swap3A_233 = vector.shape_cast %swap3A_232 : vector<1x16xf32> to vector<16xf32>
        %swap3A_234 = vector.shape_cast %mul3A_229 : vector<16xf32> to vector<1x16xf32>
        tpu.vector_store %arg7[%swap3A_230, %swap3A_231], %swap3A_234 {strides = array<i32>} : memref<32x1024xf32, #tpu.memory_space<vmem>>, vector<1x16xf32>,
      }
      %scan3A_109 = arith.constant 64 : i32
    }
    %scan3A_74 = arith.constant 32 : i32
    %add3A_75 = arith.constant 0 : i32
    %add3A_76 = arith.addi %mul3A_2, %add3A_75 : i32
    %dma_wait3A_77 = arith.constant 0 : i32
    %dma_wait3A_78 = tpu.memref_slice %arg4[%add3A_76, %dma_wait3A_77] : memref<8192x1024xf32, #tpu.memory_space<hbm>> -> memref<32x1024xf32, #tpu.memory_space<hbm>>
    %dma_wait3A_79 = arith.constant 0 : i32
    %dma_wait3A_80 = tpu.memref_slice %arg4[%add3A_76, %dma_wait3A_79] : memref<8192x1024xf32, #tpu.memory_space<hbm>> -> memref<32x1024xf32, #tpu.memory_space<hbm>>
    tpu.wait_dma2 semaphore(%arg12 : memref<!tpu.dma_semaphore, #tpu.memory_space<semaphore_mem>>) src(%arg6 : memref<32x1024xf32, #tpu.memory_space<vmem>>) dst(%dma_wait3A_80 : memref<32x1024xf32, #tpu.memory_space<hbm>>)
    %dma_start3A_81 = arith.constant 96 : i32
    %dma_start3A_82 = tpu.memref_slice %arg5[%dma_start3A_81] : memref<256xi32, #tpu.memory_space<vmem>> -> memref<32xi32, #tpu.memory_space<vmem>>
    %dma_start3A_83 = arith.constant 0 : i32
    %dma_start3A_84 = arith.constant 0 : i32
    %dma_start3A_85 = tpu.memref_slice %arg3[%dma_start3A_83, %dma_start3A_84] : memref<100000x1024xf32, #tpu.memory_space<hbm>> -> memref<100000x1024xf32, #tpu.memory_space<hbm>>
    tpu.enqueue_indirect_dma source(%dma_start3A_85 : memref<100000x1024xf32, #tpu.memory_space<hbm>>) target(%arg6 : memref<32x1024xf32, #tpu.memory_space<vmem>>) offsets(%dma_start3A_82 : memref<32xi32, #tpu.memory_space<vmem>>) semaphore(%arg9 : memref<!tpu.dma_semaphore, #tpu.memory_space<semaphore_mem>>)
    %add3A_86 = arith.constant 32 : i32
    %add3A_87 = arith.addi %mul3A_2, %add3A_86 : i32
    %dma_start3A_88 = arith.constant 0 : i32
    %dma_start3A_89 = tpu.memref_slice %arg4[%add3A_87, %dma_start3A_88] : memref<8192x1024xf32, #tpu.memory_space<hbm>> -> memref<32x1024xf32, #tpu.memory_space<hbm>>
    %dma_start3A_90 = arith.constant 0 : i32
    %dma_start3A_91 = tpu.memref_slice %arg4[%add3A_87, %dma_start3A_90] : memref<8192x1024xf32, #tpu.memory_space<hbm>> -> memref<32x1024xf32, #tpu.memory_space<hbm>>
    tpu.enqueue_dma source(%arg7 : memref<32x1024xf32, #tpu.memory_space<vmem>>) target(%dma_start3A_91 : memref<32x1024xf32, #tpu.memory_space<hbm>>) target_semaphore(%arg13 : memref<!tpu.dma_semaphore, #tpu.memory_space<semaphore_mem>>)
    %scan3A_92 = arith.constant 0 : i32
    %scan3A_93 = arith.constant 0 : i32
    %scan3A_94 = arith.constant 2 : i32
    %scan3A_95 = arith.addi %scan3A_93, %scan3A_94 : i32
    %scan3A_96 = arith.constant 1 : i32
    scf.for %scan3A_104 = %scan3A_93 to %scan3A_95 step %scan3A_96  : i32 {
      %mul3A_105 = arith.constant 3 : i32
      %mul3A_106 = arith.muli %mul3A_105, %scan3A_104 : i32
      %add3A_107 = arith.constant 2 : i32
      %add3A_108 = arith.addi %add3A_107, %mul3A_106 : i32
      %add3A_109 = arith.constant 0 : i32
      %add3A_110 = arith.addi %add3A_108, %add3A_109 : i32
      %mul3A_111 = arith.constant 32 : i32
      %mul3A_112 = arith.muli %add3A_110, %mul3A_111 : i32
      %dma_wait3A_113 = tpu.memref_slice %arg5[%mul3A_112] : memref<256xi32, #tpu.memory_space<vmem>> -> memref<32xi32, #tpu.memory_space<vmem>>
      %dma_wait3A_114 = arith.constant 0 : i32
      %dma_wait3A_115 = arith.constant 0 : i32
      %dma_wait3A_116 = tpu.memref_slice %arg3[%dma_wait3A_114, %dma_wait3A_115] : memref<100000x1024xf32, #tpu.memory_space<hbm>> -> memref<100000x1024xf32, #tpu.memory_space<hbm>>
      tpu.wait_indirect_dma semaphore(%arg11 : memref<!tpu.dma_semaphore, #tpu.memory_space<semaphore_mem>>) src(%dma_wait3A_116 : memref<100000x1024xf32, #tpu.memory_space<hbm>>) dst(%arg8 : memref<32x1024xf32, #tpu.memory_space<vmem>>)
      %scan3A_117 = arith.constant 0 : i32
      %scan3A_118 = arith.constant 0 : i32
      %scan3A_119 = arith.constant 32 : i32
      %scan3A_120 = arith.addi %scan3A_118, %scan3A_119 : i32
      %scan3A_121 = arith.constant 1 : i32
      scf.for %scan3A_226 = %scan3A_118 to %scan3A_120 step %scan3A_121  : i32 {
        %scan3A_227 = arith.constant 0 : i32
        %scan3A_228 = arith.constant 64 : i32
        %scan3A_229 = arith.addi %scan3A_227, %scan3A_228 : i32
        %scan3A_230 = arith.constant 8 : i32
        scf.for %scan3A_232 = %scan3A_227 to %scan3A_229 step %scan3A_230  : i32 {
          %mul3A_233 = arith.constant 16 : i32
          %mul3A_234 = arith.muli %scan3A_232, %mul3A_233 : i32
          %get3A = arith.index_cast %scan3A_226 : i32 to index
          %get3A_235 = arith.index_cast %mul3A_234 : i32 to index
          %get3A_236 = tpu.vector_load %arg8[%get3A, %get3A_235] {strides = array<i32>} : memref<32x1024xf32, #tpu.memory_space<vmem>>, vector<1x16xf32>,
          %get3A_237 = vector.shape_cast %get3A_236 : vector<1x16xf32> to vector<16xf32>
          %mul3A_238 = arith.constant 3.200000e+01 : f32
          %mul3A_239 = vector.broadcast %mul3A_238 : f32 to vector<16xf32>
          %mul3A_240 = arith.mulf %get3A_237, %mul3A_239 : vector<16xf32>
          %swap3A = arith.index_cast %scan3A_226 : i32 to index
          %swap3A_241 = arith.index_cast %mul3A_234 : i32 to index
          %swap3A_242 = tpu.vector_load %arg8[%swap3A, %swap3A_241] {strides = array<i32>} : memref<32x1024xf32, #tpu.memory_space<vmem>>, vector<1x16xf32>,
          %swap3A_243 = vector.shape_cast %swap3A_242 : vector<1x16xf32> to vector<16xf32>
          %swap3A_244 = vector.shape_cast %mul3A_240 : vector<16xf32> to vector<1x16xf32>
          tpu.vector_store %arg8[%swap3A, %swap3A_241], %swap3A_244 {strides = array<i32>} : memref<32x1024xf32, #tpu.memory_space<vmem>>, vector<1x16xf32>,
          %scan3A_245 = arith.constant 1 : i32
          %scan3A_246 = arith.addi %scan3A_232, %scan3A_245 : i32
          %mul3A_247 = arith.constant 16 : i32
          %mul3A_248 = arith.muli %scan3A_246, %mul3A_247 : i32
          %get3A_249 = arith.index_cast %scan3A_226 : i32 to index
          %get3A_250 = arith.index_cast %mul3A_248 : i32 to index
          %get3A_251 = tpu.vector_load %arg8[%get3A_249, %get3A_250] {strides = array<i32>} : memref<32x1024xf32, #tpu.memory_space<vmem>>, vector<1x16xf32>,
          %get3A_252 = vector.shape_cast %get3A_251 : vector<1x16xf32> to vector<16xf32>
          %mul3A_253 = arith.constant 3.200000e+01 : f32
          %mul3A_254 = vector.broadcast %mul3A_253 : f32 to vector<16xf32>
          %mul3A_255 = arith.mulf %get3A_252, %mul3A_254 : vector<16xf32>
          %swap3A_256 = arith.index_cast %scan3A_226 : i32 to index
          %swap3A_257 = arith.index_cast %mul3A_248 : i32 to index
          %swap3A_258 = tpu.vector_load %arg8[%swap3A_256, %swap3A_257] {strides = array<i32>} : memref<32x1024xf32, #tpu.memory_space<vmem>>, vector<1x16xf32>,
          %swap3A_259 = vector.shape_cast %swap3A_258 : vector<1x16xf32> to vector<16xf32>
          %swap3A_260 = vector.shape_cast %mul3A_255 : vector<16xf32> to vector<1x16xf32>
          tpu.vector_store %arg8[%swap3A_256, %swap3A_257], %swap3A_260 {strides = array<i32>} : memref<32x1024xf32, #tpu.memory_space<vmem>>, vector<1x16xf32>,
          %scan3A_261 = arith.constant 2 : i32
          %scan3A_262 = arith.addi %scan3A_232, %scan3A_261 : i32
          %mul3A_263 = arith.constant 16 : i32
          %mul3A_264 = arith.muli %scan3A_262, %mul3A_263 : i32
          %get3A_265 = arith.index_cast %scan3A_226 : i32 to index
          %get3A_266 = arith.index_cast %mul3A_264 : i32 to index
          %get3A_267 = tpu.vector_load %arg8[%get3A_265, %get3A_266] {strides = array<i32>} : memref<32x1024xf32, #tpu.memory_space<vmem>>, vector<1x16xf32>,
          %get3A_268 = vector.shape_cast %get3A_267 : vector<1x16xf32> to vector<16xf32>
          %mul3A_269 = arith.constant 3.200000e+01 : f32
          %mul3A_270 = vector.broadcast %mul3A_269 : f32 to vector<16xf32>
          %mul3A_271 = arith.mulf %get3A_268, %mul3A_270 : vector<16xf32>
          %swap3A_272 = arith.index_cast %scan3A_226 : i32 to index
          %swap3A_273 = arith.index_cast %mul3A_264 : i32 to index
          %swap3A_274 = tpu.vector_load %arg8[%swap3A_272, %swap3A_273] {strides = array<i32>} : memref<32x1024xf32, #tpu.memory_space<vmem>>, vector<1x16xf32>,
          %swap3A_275 = vector.shape_cast %swap3A_274 : vector<1x16xf32> to vector<16xf32>
          %swap3A_276 = vector.shape_cast %mul3A_271 : vector<16xf32> to vector<1x16xf32>
          tpu.vector_store %arg8[%swap3A_272, %swap3A_273], %swap3A_276 {strides = array<i32>} : memref<32x1024xf32, #tpu.memory_space<vmem>>, vector<1x16xf32>,
          %scan3A_277 = arith.constant 3 : i32
          %scan3A_278 = arith.addi %scan3A_232, %scan3A_277 : i32
          %mul3A_279 = arith.constant 16 : i32
          %mul3A_280 = arith.muli %scan3A_278, %mul3A_279 : i32
          %get3A_281 = arith.index_cast %scan3A_226 : i32 to index
          %get3A_282 = arith.index_cast %mul3A_280 : i32 to index
          %get3A_283 = tpu.vector_load %arg8[%get3A_281, %get3A_282] {strides = array<i32>} : memref<32x1024xf32, #tpu.memory_space<vmem>>, vector<1x16xf32>,
          %get3A_284 = vector.shape_cast %get3A_283 : vector<1x16xf32> to vector<16xf32>
          %mul3A_285 = arith.constant 3.200000e+01 : f32
          %mul3A_286 = vector.broadcast %mul3A_285 : f32 to vector<16xf32>
          %mul3A_287 = arith.mulf %get3A_284, %mul3A_286 : vector<16xf32>
          %swap3A_288 = arith.index_cast %scan3A_226 : i32 to index
          %swap3A_289 = arith.index_cast %mul3A_280 : i32 to index
          %swap3A_290 = tpu.vector_load %arg8[%swap3A_288, %swap3A_289] {strides = array<i32>} : memref<32x1024xf32, #tpu.memory_space<vmem>>, vector<1x16xf32>,
          %swap3A_291 = vector.shape_cast %swap3A_290 : vector<1x16xf32> to vector<16xf32>
          %swap3A_292 = vector.shape_cast %mul3A_287 : vector<16xf32> to vector<1x16xf32>
          tpu.vector_store %arg8[%swap3A_288, %swap3A_289], %swap3A_292 {strides = array<i32>} : memref<32x1024xf32, #tpu.memory_space<vmem>>, vector<1x16xf32>,
          %scan3A_293 = arith.constant 4 : i32
          %scan3A_294 = arith.addi %scan3A_232, %scan3A_293 : i32
          %mul3A_295 = arith.constant 16 : i32
          %mul3A_296 = arith.muli %scan3A_294, %mul3A_295 : i32
          %get3A_297 = arith.index_cast %scan3A_226 : i32 to index
          %get3A_298 = arith.index_cast %mul3A_296 : i32 to index
          %get3A_299 = tpu.vector_load %arg8[%get3A_297, %get3A_298] {strides = array<i32>} : memref<32x1024xf32, #tpu.memory_space<vmem>>, vector<1x16xf32>,
          %get3A_300 = vector.shape_cast %get3A_299 : vector<1x16xf32> to vector<16xf32>
          %mul3A_301 = arith.constant 3.200000e+01 : f32
          %mul3A_302 = vector.broadcast %mul3A_301 : f32 to vector<16xf32>
          %mul3A_303 = arith.mulf %get3A_300, %mul3A_302 : vector<16xf32>
          %swap3A_304 = arith.index_cast %scan3A_226 : i32 to index
          %swap3A_305 = arith.index_cast %mul3A_296 : i32 to index
          %swap3A_306 = tpu.vector_load %arg8[%swap3A_304, %swap3A_305] {strides = array<i32>} : memref<32x1024xf32, #tpu.memory_space<vmem>>, vector<1x16xf32>,
          %swap3A_307 = vector.shape_cast %swap3A_306 : vector<1x16xf32> to vector<16xf32>
          %swap3A_308 = vector.shape_cast %mul3A_303 : vector<16xf32> to vector<1x16xf32>
          tpu.vector_store %arg8[%swap3A_304, %swap3A_305], %swap3A_308 {strides = array<i32>} : memref<32x1024xf32, #tpu.memory_space<vmem>>, vector<1x16xf32>,
          %scan3A_309 = arith.constant 5 : i32
          %scan3A_310 = arith.addi %scan3A_232, %scan3A_309 : i32
          %mul3A_311 = arith.constant 16 : i32
          %mul3A_312 = arith.muli %scan3A_310, %mul3A_311 : i32
          %get3A_313 = arith.index_cast %scan3A_226 : i32 to index
          %get3A_314 = arith.index_cast %mul3A_312 : i32 to index
          %get3A_315 = tpu.vector_load %arg8[%get3A_313, %get3A_314] {strides = array<i32>} : memref<32x1024xf32, #tpu.memory_space<vmem>>, vector<1x16xf32>,
          %get3A_316 = vector.shape_cast %get3A_315 : vector<1x16xf32> to vector<16xf32>
          %mul3A_317 = arith.constant 3.200000e+01 : f32
          %mul3A_318 = vector.broadcast %mul3A_317 : f32 to vector<16xf32>
          %mul3A_319 = arith.mulf %get3A_316, %mul3A_318 : vector<16xf32>
          %swap3A_320 = arith.index_cast %scan3A_226 : i32 to index
          %swap3A_321 = arith.index_cast %mul3A_312 : i32 to index
          %swap3A_322 = tpu.vector_load %arg8[%swap3A_320, %swap3A_321] {strides = array<i32>} : memref<32x1024xf32, #tpu.memory_space<vmem>>, vector<1x16xf32>,
          %swap3A_323 = vector.shape_cast %swap3A_322 : vector<1x16xf32> to vector<16xf32>
          %swap3A_324 = vector.shape_cast %mul3A_319 : vector<16xf32> to vector<1x16xf32>
          tpu.vector_store %arg8[%swap3A_320, %swap3A_321], %swap3A_324 {strides = array<i32>} : memref<32x1024xf32, #tpu.memory_space<vmem>>, vector<1x16xf32>,
          %scan3A_325 = arith.constant 6 : i32
          %scan3A_326 = arith.addi %scan3A_232, %scan3A_325 : i32
          %mul3A_327 = arith.constant 16 : i32
          %mul3A_328 = arith.muli %scan3A_326, %mul3A_327 : i32
          %get3A_329 = arith.index_cast %scan3A_226 : i32 to index
          %get3A_330 = arith.index_cast %mul3A_328 : i32 to index
          %get3A_331 = tpu.vector_load %arg8[%get3A_329, %get3A_330] {strides = array<i32>} : memref<32x1024xf32, #tpu.memory_space<vmem>>, vector<1x16xf32>,
          %get3A_332 = vector.shape_cast %get3A_331 : vector<1x16xf32> to vector<16xf32>
          %mul3A_333 = arith.constant 3.200000e+01 : f32
          %mul3A_334 = vector.broadcast %mul3A_333 : f32 to vector<16xf32>
          %mul3A_335 = arith.mulf %get3A_332, %mul3A_334 : vector<16xf32>
          %swap3A_336 = arith.index_cast %scan3A_226 : i32 to index
          %swap3A_337 = arith.index_cast %mul3A_328 : i32 to index
          %swap3A_338 = tpu.vector_load %arg8[%swap3A_336, %swap3A_337] {strides = array<i32>} : memref<32x1024xf32, #tpu.memory_space<vmem>>, vector<1x16xf32>,
          %swap3A_339 = vector.shape_cast %swap3A_338 : vector<1x16xf32> to vector<16xf32>
          %swap3A_340 = vector.shape_cast %mul3A_335 : vector<16xf32> to vector<1x16xf32>
          tpu.vector_store %arg8[%swap3A_336, %swap3A_337], %swap3A_340 {strides = array<i32>} : memref<32x1024xf32, #tpu.memory_space<vmem>>, vector<1x16xf32>,
          %scan3A_341 = arith.constant 7 : i32
          %scan3A_342 = arith.addi %scan3A_232, %scan3A_341 : i32
          %mul3A_343 = arith.constant 16 : i32
          %mul3A_344 = arith.muli %scan3A_342, %mul3A_343 : i32
          %get3A_345 = arith.index_cast %scan3A_226 : i32 to index
          %get3A_346 = arith.index_cast %mul3A_344 : i32 to index
          %get3A_347 = tpu.vector_load %arg8[%get3A_345, %get3A_346] {strides = array<i32>} : memref<32x1024xf32, #tpu.memory_space<vmem>>, vector<1x16xf32>,
          %get3A_348 = vector.shape_cast %get3A_347 : vector<1x16xf32> to vector<16xf32>
          %mul3A_349 = arith.constant 3.200000e+01 : f32
          %mul3A_350 = vector.broadcast %mul3A_349 : f32 to vector<16xf32>
          %mul3A_351 = arith.mulf %get3A_348, %mul3A_350 : vector<16xf32>
          %swap3A_352 = arith.index_cast %scan3A_226 : i32 to index
          %swap3A_353 = arith.index_cast %mul3A_344 : i32 to index
          %swap3A_354 = tpu.vector_load %arg8[%swap3A_352, %swap3A_353] {strides = array<i32>} : memref<32x1024xf32, #tpu.memory_space<vmem>>, vector<1x16xf32>,
          %swap3A_355 = vector.shape_cast %swap3A_354 : vector<1x16xf32> to vector<16xf32>
          %swap3A_356 = vector.shape_cast %mul3A_351 : vector<16xf32> to vector<1x16xf32>
          tpu.vector_store %arg8[%swap3A_352, %swap3A_353], %swap3A_356 {strides = array<i32>} : memref<32x1024xf32, #tpu.memory_space<vmem>>, vector<1x16xf32>,
        }
        %scan3A_231 = arith.constant 64 : i32
      }
      %scan3A_122 = arith.constant 32 : i32
      %sub3A_123 = arith.constant 1 : i32
      %sub3A_124 = arith.subi %add3A_110, %sub3A_123 : i32
      %mul3A_125 = arith.constant 32 : i32
      %mul3A_126 = arith.muli %sub3A_124, %mul3A_125 : i32
      %add3A_127 = arith.addi %mul3A_2, %mul3A_126 : i32
      %dma_wait3A_128 = arith.constant 0 : i32
      %dma_wait3A_129 = tpu.memref_slice %arg4[%add3A_127, %dma_wait3A_128] : memref<8192x1024xf32, #tpu.memory_space<hbm>> -> memref<32x1024xf32, #tpu.memory_space<hbm>>
      %dma_wait3A_130 = arith.constant 0 : i32
      %dma_wait3A_131 = tpu.memref_slice %arg4[%add3A_127, %dma_wait3A_130] : memref<8192x1024xf32, #tpu.memory_space<hbm>> -> memref<32x1024xf32, #tpu.memory_space<hbm>>
      tpu.wait_dma2 semaphore(%arg13 : memref<!tpu.dma_semaphore, #tpu.memory_space<semaphore_mem>>) src(%arg7 : memref<32x1024xf32, #tpu.memory_space<vmem>>) dst(%dma_wait3A_131 : memref<32x1024xf32, #tpu.memory_space<hbm>>)
      %add3A_132 = arith.constant 2 : i32
      %add3A_133 = arith.addi %add3A_110, %add3A_132 : i32
      %lt3A_134 = arith.constant 8 : i32
      %lt3A_135 = arith.cmpi slt, %add3A_133, %lt3A_134 : i32
      %convert_element_type3A = arith.extui %lt3A_135 : i1 to i32
      %cond3A = arith.constant 0 : i32
      %cond3A_136 = arith.cmpi ne, %convert_element_type3A, %cond3A : i32
      scf.if %cond3A_136 {
        %add3A_226 = arith.constant 2 : i32
        %add3A_227 = arith.addi %add3A_110, %add3A_226 : i32
        %mul3A_228 = arith.constant 32 : i32
        %mul3A_229 = arith.muli %add3A_227, %mul3A_228 : i32
        %dma_start3A_230 = tpu.memref_slice %arg5[%mul3A_229] : memref<256xi32, #tpu.memory_space<vmem>> -> memref<32xi32, #tpu.memory_space<vmem>>
        %dma_start3A_231 = arith.constant 0 : i32
        %dma_start3A_232 = arith.constant 0 : i32
        %dma_start3A_233 = tpu.memref_slice %arg3[%dma_start3A_231, %dma_start3A_232] : memref<100000x1024xf32, #tpu.memory_space<hbm>> -> memref<100000x1024xf32, #tpu.memory_space<hbm>>
        tpu.enqueue_indirect_dma source(%dma_start3A_233 : memref<100000x1024xf32, #tpu.memory_space<hbm>>) target(%arg7 : memref<32x1024xf32, #tpu.memory_space<vmem>>) offsets(%dma_start3A_230 : memref<32xi32, #tpu.memory_space<vmem>>) semaphore(%arg10 : memref<!tpu.dma_semaphore, #tpu.memory_space<semaphore_mem>>)
      } else {
      }
      %mul3A_137 = arith.constant 32 : i32
      %mul3A_138 = arith.muli %add3A_110, %mul3A_137 : i32
      %add3A_139 = arith.addi %mul3A_2, %mul3A_138 : i32
      %dma_start3A_140 = arith.constant 0 : i32
      %dma_start3A_141 = tpu.memref_slice %arg4[%add3A_139, %dma_start3A_140] : memref<8192x1024xf32, #tpu.memory_space<hbm>> -> memref<32x1024xf32, #tpu.memory_space<hbm>>
      %dma_start3A_142 = arith.constant 0 : i32
      %dma_start3A_143 = tpu.memref_slice %arg4[%add3A_139, %dma_start3A_142] : memref<8192x1024xf32, #tpu.memory_space<hbm>> -> memref<32x1024xf32, #tpu.memory_space<hbm>>
      tpu.enqueue_dma source(%arg8 : memref<32x1024xf32, #tpu.memory_space<vmem>>) target(%dma_start3A_143 : memref<32x1024xf32, #tpu.memory_space<hbm>>) target_semaphore(%arg14 : memref<!tpu.dma_semaphore, #tpu.memory_space<semaphore_mem>>)
      %mul3A_144 = arith.constant 3 : i32
      %mul3A_145 = arith.muli %mul3A_144, %scan3A_104 : i32
      %add3A_146 = arith.constant 2 : i32
      %add3A_147 = arith.addi %add3A_146, %mul3A_145 : i32
      %add3A_148 = arith.constant 1 : i32
      %add3A_149 = arith.addi %add3A_147, %add3A_148 : i32
      %mul3A_150 = arith.constant 32 : i32
      %mul3A_151 = arith.muli %add3A_149, %mul3A_150 : i32
      %dma_wait3A_152 = tpu.memref_slice %arg5[%mul3A_151] : memref<256xi32, #tpu.memory_space<vmem>> -> memref<32xi32, #tpu.memory_space<vmem>>
      %dma_wait3A_153 = arith.constant 0 : i32
      %dma_wait3A_154 = arith.constant 0 : i32
      %dma_wait3A_155 = tpu.memref_slice %arg3[%dma_wait3A_153, %dma_wait3A_154] : memref<100000x1024xf32, #tpu.memory_space<hbm>> -> memref<100000x1024xf32, #tpu.memory_space<hbm>>
      tpu.wait_indirect_dma semaphore(%arg9 : memref<!tpu.dma_semaphore, #tpu.memory_space<semaphore_mem>>) src(%dma_wait3A_155 : memref<100000x1024xf32, #tpu.memory_space<hbm>>) dst(%arg6 : memref<32x1024xf32, #tpu.memory_space<vmem>>)
      %scan3A_156 = arith.constant 0 : i32
      %scan3A_157 = arith.constant 0 : i32
      %scan3A_158 = arith.constant 32 : i32
      %scan3A_159 = arith.addi %scan3A_157, %scan3A_158 : i32
      %scan3A_160 = arith.constant 1 : i32
      scf.for %scan3A_226 = %scan3A_157 to %scan3A_159 step %scan3A_160  : i32 {
        %scan3A_227 = arith.constant 0 : i32
        %scan3A_228 = arith.constant 64 : i32
        %scan3A_229 = arith.addi %scan3A_227, %scan3A_228 : i32
        %scan3A_230 = arith.constant 8 : i32
        scf.for %scan3A_232 = %scan3A_227 to %scan3A_229 step %scan3A_230  : i32 {
          %mul3A_233 = arith.constant 16 : i32
          %mul3A_234 = arith.muli %scan3A_232, %mul3A_233 : i32
          %get3A = arith.index_cast %scan3A_226 : i32 to index
          %get3A_235 = arith.index_cast %mul3A_234 : i32 to index
          %get3A_236 = tpu.vector_load %arg6[%get3A, %get3A_235] {strides = array<i32>} : memref<32x1024xf32, #tpu.memory_space<vmem>>, vector<1x16xf32>,
          %get3A_237 = vector.shape_cast %get3A_236 : vector<1x16xf32> to vector<16xf32>
          %mul3A_238 = arith.constant 3.200000e+01 : f32
          %mul3A_239 = vector.broadcast %mul3A_238 : f32 to vector<16xf32>
          %mul3A_240 = arith.mulf %get3A_237, %mul3A_239 : vector<16xf32>
          %swap3A = arith.index_cast %scan3A_226 : i32 to index
          %swap3A_241 = arith.index_cast %mul3A_234 : i32 to index
          %swap3A_242 = tpu.vector_load %arg6[%swap3A, %swap3A_241] {strides = array<i32>} : memref<32x1024xf32, #tpu.memory_space<vmem>>, vector<1x16xf32>,
          %swap3A_243 = vector.shape_cast %swap3A_242 : vector<1x16xf32> to vector<16xf32>
          %swap3A_244 = vector.shape_cast %mul3A_240 : vector<16xf32> to vector<1x16xf32>
          tpu.vector_store %arg6[%swap3A, %swap3A_241], %swap3A_244 {strides = array<i32>} : memref<32x1024xf32, #tpu.memory_space<vmem>>, vector<1x16xf32>,
          %scan3A_245 = arith.constant 1 : i32
          %scan3A_246 = arith.addi %scan3A_232, %scan3A_245 : i32
          %mul3A_247 = arith.constant 16 : i32
          %mul3A_248 = arith.muli %scan3A_246, %mul3A_247 : i32
          %get3A_249 = arith.index_cast %scan3A_226 : i32 to index
          %get3A_250 = arith.index_cast %mul3A_248 : i32 to index
          %get3A_251 = tpu.vector_load %arg6[%get3A_249, %get3A_250] {strides = array<i32>} : memref<32x1024xf32, #tpu.memory_space<vmem>>, vector<1x16xf32>,
          %get3A_252 = vector.shape_cast %get3A_251 : vector<1x16xf32> to vector<16xf32>
          %mul3A_253 = arith.constant 3.200000e+01 : f32
          %mul3A_254 = vector.broadcast %mul3A_253 : f32 to vector<16xf32>
          %mul3A_255 = arith.mulf %get3A_252, %mul3A_254 : vector<16xf32>
          %swap3A_256 = arith.index_cast %scan3A_226 : i32 to index
          %swap3A_257 = arith.index_cast %mul3A_248 : i32 to index
          %swap3A_258 = tpu.vector_load %arg6[%swap3A_256, %swap3A_257] {strides = array<i32>} : memref<32x1024xf32, #tpu.memory_space<vmem>>, vector<1x16xf32>,
          %swap3A_259 = vector.shape_cast %swap3A_258 : vector<1x16xf32> to vector<16xf32>
          %swap3A_260 = vector.shape_cast %mul3A_255 : vector<16xf32> to vector<1x16xf32>
          tpu.vector_store %arg6[%swap3A_256, %swap3A_257], %swap3A_260 {strides = array<i32>} : memref<32x1024xf32, #tpu.memory_space<vmem>>, vector<1x16xf32>,
          %scan3A_261 = arith.constant 2 : i32
          %scan3A_262 = arith.addi %scan3A_232, %scan3A_261 : i32
          %mul3A_263 = arith.constant 16 : i32
          %mul3A_264 = arith.muli %scan3A_262, %mul3A_263 : i32
          %get3A_265 = arith.index_cast %scan3A_226 : i32 to index
          %get3A_266 = arith.index_cast %mul3A_264 : i32 to index
          %get3A_267 = tpu.vector_load %arg6[%get3A_265, %get3A_266] {strides = array<i32>} : memref<32x1024xf32, #tpu.memory_space<vmem>>, vector<1x16xf32>,
          %get3A_268 = vector.shape_cast %get3A_267 : vector<1x16xf32> to vector<16xf32>
          %mul3A_269 = arith.constant 3.200000e+01 : f32
          %mul3A_270 = vector.broadcast %mul3A_269 : f32 to vector<16xf32>
          %mul3A_271 = arith.mulf %get3A_268, %mul3A_270 : vector<16xf32>
          %swap3A_272 = arith.index_cast %scan3A_226 : i32 to index
          %swap3A_273 = arith.index_cast %mul3A_264 : i32 to index
          %swap3A_274 = tpu.vector_load %arg6[%swap3A_272, %swap3A_273] {strides = array<i32>} : memref<32x1024xf32, #tpu.memory_space<vmem>>, vector<1x16xf32>,
          %swap3A_275 = vector.shape_cast %swap3A_274 : vector<1x16xf32> to vector<16xf32>
          %swap3A_276 = vector.shape_cast %mul3A_271 : vector<16xf32> to vector<1x16xf32>
          tpu.vector_store %arg6[%swap3A_272, %swap3A_273], %swap3A_276 {strides = array<i32>} : memref<32x1024xf32, #tpu.memory_space<vmem>>, vector<1x16xf32>,
          %scan3A_277 = arith.constant 3 : i32
          %scan3A_278 = arith.addi %scan3A_232, %scan3A_277 : i32
          %mul3A_279 = arith.constant 16 : i32
          %mul3A_280 = arith.muli %scan3A_278, %mul3A_279 : i32
          %get3A_281 = arith.index_cast %scan3A_226 : i32 to index
          %get3A_282 = arith.index_cast %mul3A_280 : i32 to index
          %get3A_283 = tpu.vector_load %arg6[%get3A_281, %get3A_282] {strides = array<i32>} : memref<32x1024xf32, #tpu.memory_space<vmem>>, vector<1x16xf32>,
          %get3A_284 = vector.shape_cast %get3A_283 : vector<1x16xf32> to vector<16xf32>
          %mul3A_285 = arith.constant 3.200000e+01 : f32
          %mul3A_286 = vector.broadcast %mul3A_285 : f32 to vector<16xf32>
          %mul3A_287 = arith.mulf %get3A_284, %mul3A_286 : vector<16xf32>
          %swap3A_288 = arith.index_cast %scan3A_226 : i32 to index
          %swap3A_289 = arith.index_cast %mul3A_280 : i32 to index
          %swap3A_290 = tpu.vector_load %arg6[%swap3A_288, %swap3A_289] {strides = array<i32>} : memref<32x1024xf32, #tpu.memory_space<vmem>>, vector<1x16xf32>,
          %swap3A_291 = vector.shape_cast %swap3A_290 : vector<1x16xf32> to vector<16xf32>
          %swap3A_292 = vector.shape_cast %mul3A_287 : vector<16xf32> to vector<1x16xf32>
          tpu.vector_store %arg6[%swap3A_288, %swap3A_289], %swap3A_292 {strides = array<i32>} : memref<32x1024xf32, #tpu.memory_space<vmem>>, vector<1x16xf32>,
          %scan3A_293 = arith.constant 4 : i32
          %scan3A_294 = arith.addi %scan3A_232, %scan3A_293 : i32
          %mul3A_295 = arith.constant 16 : i32
          %mul3A_296 = arith.muli %scan3A_294, %mul3A_295 : i32
          %get3A_297 = arith.index_cast %scan3A_226 : i32 to index
          %get3A_298 = arith.index_cast %mul3A_296 : i32 to index
          %get3A_299 = tpu.vector_load %arg6[%get3A_297, %get3A_298] {strides = array<i32>} : memref<32x1024xf32, #tpu.memory_space<vmem>>, vector<1x16xf32>,
          %get3A_300 = vector.shape_cast %get3A_299 : vector<1x16xf32> to vector<16xf32>
          %mul3A_301 = arith.constant 3.200000e+01 : f32
          %mul3A_302 = vector.broadcast %mul3A_301 : f32 to vector<16xf32>
          %mul3A_303 = arith.mulf %get3A_300, %mul3A_302 : vector<16xf32>
          %swap3A_304 = arith.index_cast %scan3A_226 : i32 to index
          %swap3A_305 = arith.index_cast %mul3A_296 : i32 to index
          %swap3A_306 = tpu.vector_load %arg6[%swap3A_304, %swap3A_305] {strides = array<i32>} : memref<32x1024xf32, #tpu.memory_space<vmem>>, vector<1x16xf32>,
          %swap3A_307 = vector.shape_cast %swap3A_306 : vector<1x16xf32> to vector<16xf32>
          %swap3A_308 = vector.shape_cast %mul3A_303 : vector<16xf32> to vector<1x16xf32>
          tpu.vector_store %arg6[%swap3A_304, %swap3A_305], %swap3A_308 {strides = array<i32>} : memref<32x1024xf32, #tpu.memory_space<vmem>>, vector<1x16xf32>,
          %scan3A_309 = arith.constant 5 : i32
          %scan3A_310 = arith.addi %scan3A_232, %scan3A_309 : i32
          %mul3A_311 = arith.constant 16 : i32
          %mul3A_312 = arith.muli %scan3A_310, %mul3A_311 : i32
          %get3A_313 = arith.index_cast %scan3A_226 : i32 to index
          %get3A_314 = arith.index_cast %mul3A_312 : i32 to index
          %get3A_315 = tpu.vector_load %arg6[%get3A_313, %get3A_314] {strides = array<i32>} : memref<32x1024xf32, #tpu.memory_space<vmem>>, vector<1x16xf32>,
          %get3A_316 = vector.shape_cast %get3A_315 : vector<1x16xf32> to vector<16xf32>
          %mul3A_317 = arith.constant 3.200000e+01 : f32
          %mul3A_318 = vector.broadcast %mul3A_317 : f32 to vector<16xf32>
          %mul3A_319 = arith.mulf %get3A_316, %mul3A_318 : vector<16xf32>
          %swap3A_320 = arith.index_cast %scan3A_226 : i32 to index
          %swap3A_321 = arith.index_cast %mul3A_312 : i32 to index
          %swap3A_322 = tpu.vector_load %arg6[%swap3A_320, %swap3A_321] {strides = array<i32>} : memref<32x1024xf32, #tpu.memory_space<vmem>>, vector<1x16xf32>,
          %swap3A_323 = vector.shape_cast %swap3A_322 : vector<1x16xf32> to vector<16xf32>
          %swap3A_324 = vector.shape_cast %mul3A_319 : vector<16xf32> to vector<1x16xf32>
          tpu.vector_store %arg6[%swap3A_320, %swap3A_321], %swap3A_324 {strides = array<i32>} : memref<32x1024xf32, #tpu.memory_space<vmem>>, vector<1x16xf32>,
          %scan3A_325 = arith.constant 6 : i32
          %scan3A_326 = arith.addi %scan3A_232, %scan3A_325 : i32
          %mul3A_327 = arith.constant 16 : i32
          %mul3A_328 = arith.muli %scan3A_326, %mul3A_327 : i32
          %get3A_329 = arith.index_cast %scan3A_226 : i32 to index
          %get3A_330 = arith.index_cast %mul3A_328 : i32 to index
          %get3A_331 = tpu.vector_load %arg6[%get3A_329, %get3A_330] {strides = array<i32>} : memref<32x1024xf32, #tpu.memory_space<vmem>>, vector<1x16xf32>,
          %get3A_332 = vector.shape_cast %get3A_331 : vector<1x16xf32> to vector<16xf32>
          %mul3A_333 = arith.constant 3.200000e+01 : f32
          %mul3A_334 = vector.broadcast %mul3A_333 : f32 to vector<16xf32>
          %mul3A_335 = arith.mulf %get3A_332, %mul3A_334 : vector<16xf32>
          %swap3A_336 = arith.index_cast %scan3A_226 : i32 to index
          %swap3A_337 = arith.index_cast %mul3A_328 : i32 to index
          %swap3A_338 = tpu.vector_load %arg6[%swap3A_336, %swap3A_337] {strides = array<i32>} : memref<32x1024xf32, #tpu.memory_space<vmem>>, vector<1x16xf32>,
          %swap3A_339 = vector.shape_cast %swap3A_338 : vector<1x16xf32> to vector<16xf32>
          %swap3A_340 = vector.shape_cast %mul3A_335 : vector<16xf32> to vector<1x16xf32>
          tpu.vector_store %arg6[%swap3A_336, %swap3A_337], %swap3A_340 {strides = array<i32>} : memref<32x1024xf32, #tpu.memory_space<vmem>>, vector<1x16xf32>,
          %scan3A_341 = arith.constant 7 : i32
          %scan3A_342 = arith.addi %scan3A_232, %scan3A_341 : i32
          %mul3A_343 = arith.constant 16 : i32
          %mul3A_344 = arith.muli %scan3A_342, %mul3A_343 : i32
          %get3A_345 = arith.index_cast %scan3A_226 : i32 to index
          %get3A_346 = arith.index_cast %mul3A_344 : i32 to index
          %get3A_347 = tpu.vector_load %arg6[%get3A_345, %get3A_346] {strides = array<i32>} : memref<32x1024xf32, #tpu.memory_space<vmem>>, vector<1x16xf32>,
          %get3A_348 = vector.shape_cast %get3A_347 : vector<1x16xf32> to vector<16xf32>
          %mul3A_349 = arith.constant 3.200000e+01 : f32
          %mul3A_350 = vector.broadcast %mul3A_349 : f32 to vector<16xf32>
          %mul3A_351 = arith.mulf %get3A_348, %mul3A_350 : vector<16xf32>
          %swap3A_352 = arith.index_cast %scan3A_226 : i32 to index
          %swap3A_353 = arith.index_cast %mul3A_344 : i32 to index
          %swap3A_354 = tpu.vector_load %arg6[%swap3A_352, %swap3A_353] {strides = array<i32>} : memref<32x1024xf32, #tpu.memory_space<vmem>>, vector<1x16xf32>,
          %swap3A_355 = vector.shape_cast %swap3A_354 : vector<1x16xf32> to vector<16xf32>
          %swap3A_356 = vector.shape_cast %mul3A_351 : vector<16xf32> to vector<1x16xf32>
          tpu.vector_store %arg6[%swap3A_352, %swap3A_353], %swap3A_356 {strides = array<i32>} : memref<32x1024xf32, #tpu.memory_space<vmem>>, vector<1x16xf32>,
        }
        %scan3A_231 = arith.constant 64 : i32
      }
      %scan3A_161 = arith.constant 32 : i32
      %sub3A_162 = arith.constant 1 : i32
      %sub3A_163 = arith.subi %add3A_149, %sub3A_162 : i32
      %mul3A_164 = arith.constant 32 : i32
      %mul3A_165 = arith.muli %sub3A_163, %mul3A_164 : i32
      %add3A_166 = arith.addi %mul3A_2, %mul3A_165 : i32
      %dma_wait3A_167 = arith.constant 0 : i32
      %dma_wait3A_168 = tpu.memref_slice %arg4[%add3A_166, %dma_wait3A_167] : memref<8192x1024xf32, #tpu.memory_space<hbm>> -> memref<32x1024xf32, #tpu.memory_space<hbm>>
      %dma_wait3A_169 = arith.constant 0 : i32
      %dma_wait3A_170 = tpu.memref_slice %arg4[%add3A_166, %dma_wait3A_169] : memref<8192x1024xf32, #tpu.memory_space<hbm>> -> memref<32x1024xf32, #tpu.memory_space<hbm>>
      tpu.wait_dma2 semaphore(%arg14 : memref<!tpu.dma_semaphore, #tpu.memory_space<semaphore_mem>>) src(%arg8 : memref<32x1024xf32, #tpu.memory_space<vmem>>) dst(%dma_wait3A_170 : memref<32x1024xf32, #tpu.memory_space<hbm>>)
      %add3A_171 = arith.constant 2 : i32
      %add3A_172 = arith.addi %add3A_149, %add3A_171 : i32
      %lt3A_173 = arith.constant 8 : i32
      %lt3A_174 = arith.cmpi slt, %add3A_172, %lt3A_173 : i32
      %convert_element_type3A_175 = arith.extui %lt3A_174 : i1 to i32
      %cond3A_176 = arith.constant 0 : i32
      %cond3A_177 = arith.cmpi ne, %convert_element_type3A_175, %cond3A_176 : i32
      scf.if %cond3A_177 {
        %add3A_226 = arith.constant 2 : i32
        %add3A_227 = arith.addi %add3A_149, %add3A_226 : i32
        %mul3A_228 = arith.constant 32 : i32
        %mul3A_229 = arith.muli %add3A_227, %mul3A_228 : i32
        %dma_start3A_230 = tpu.memref_slice %arg5[%mul3A_229] : memref<256xi32, #tpu.memory_space<vmem>> -> memref<32xi32, #tpu.memory_space<vmem>>
        %dma_start3A_231 = arith.constant 0 : i32
        %dma_start3A_232 = arith.constant 0 : i32
        %dma_start3A_233 = tpu.memref_slice %arg3[%dma_start3A_231, %dma_start3A_232] : memref<100000x1024xf32, #tpu.memory_space<hbm>> -> memref<100000x1024xf32, #tpu.memory_space<hbm>>
        tpu.enqueue_indirect_dma source(%dma_start3A_233 : memref<100000x1024xf32, #tpu.memory_space<hbm>>) target(%arg8 : memref<32x1024xf32, #tpu.memory_space<vmem>>) offsets(%dma_start3A_230 : memref<32xi32, #tpu.memory_space<vmem>>) semaphore(%arg11 : memref<!tpu.dma_semaphore, #tpu.memory_space<semaphore_mem>>)
      } else {
      }
      %mul3A_178 = arith.constant 32 : i32
      %mul3A_179 = arith.muli %add3A_149, %mul3A_178 : i32
      %add3A_180 = arith.addi %mul3A_2, %mul3A_179 : i32
      %dma_start3A_181 = arith.constant 0 : i32
      %dma_start3A_182 = tpu.memref_slice %arg4[%add3A_180, %dma_start3A_181] : memref<8192x1024xf32, #tpu.memory_space<hbm>> -> memref<32x1024xf32, #tpu.memory_space<hbm>>
      %dma_start3A_183 = arith.constant 0 : i32
      %dma_start3A_184 = tpu.memref_slice %arg4[%add3A_180, %dma_start3A_183] : memref<8192x1024xf32, #tpu.memory_space<hbm>> -> memref<32x1024xf32, #tpu.memory_space<hbm>>
      tpu.enqueue_dma source(%arg6 : memref<32x1024xf32, #tpu.memory_space<vmem>>) target(%dma_start3A_184 : memref<32x1024xf32, #tpu.memory_space<hbm>>) target_semaphore(%arg12 : memref<!tpu.dma_semaphore, #tpu.memory_space<semaphore_mem>>)
      %mul3A_185 = arith.constant 3 : i32
      %mul3A_186 = arith.muli %mul3A_185, %scan3A_104 : i32
      %add3A_187 = arith.constant 2 : i32
      %add3A_188 = arith.addi %add3A_187, %mul3A_186 : i32
      %add3A_189 = arith.constant 2 : i32
      %add3A_190 = arith.addi %add3A_188, %add3A_189 : i32
      %mul3A_191 = arith.constant 32 : i32
      %mul3A_192 = arith.muli %add3A_190, %mul3A_191 : i32
      %dma_wait3A_193 = tpu.memref_slice %arg5[%mul3A_192] : memref<256xi32, #tpu.memory_space<vmem>> -> memref<32xi32, #tpu.memory_space<vmem>>
      %dma_wait3A_194 = arith.constant 0 : i32
      %dma_wait3A_195 = arith.constant 0 : i32
      %dma_wait3A_196 = tpu.memref_slice %arg3[%dma_wait3A_194, %dma_wait3A_195] : memref<100000x1024xf32, #tpu.memory_space<hbm>> -> memref<100000x1024xf32, #tpu.memory_space<hbm>>
      tpu.wait_indirect_dma semaphore(%arg10 : memref<!tpu.dma_semaphore, #tpu.memory_space<semaphore_mem>>) src(%dma_wait3A_196 : memref<100000x1024xf32, #tpu.memory_space<hbm>>) dst(%arg7 : memref<32x1024xf32, #tpu.memory_space<vmem>>)
      %scan3A_197 = arith.constant 0 : i32
      %scan3A_198 = arith.constant 0 : i32
      %scan3A_199 = arith.constant 32 : i32
      %scan3A_200 = arith.addi %scan3A_198, %scan3A_199 : i32
      %scan3A_201 = arith.constant 1 : i32
      scf.for %scan3A_226 = %scan3A_198 to %scan3A_200 step %scan3A_201  : i32 {
        %scan3A_227 = arith.constant 0 : i32
        %scan3A_228 = arith.constant 64 : i32
        %scan3A_229 = arith.addi %scan3A_227, %scan3A_228 : i32
        %scan3A_230 = arith.constant 8 : i32
        scf.for %scan3A_232 = %scan3A_227 to %scan3A_229 step %scan3A_230  : i32 {
          %mul3A_233 = arith.constant 16 : i32
          %mul3A_234 = arith.muli %scan3A_232, %mul3A_233 : i32
          %get3A = arith.index_cast %scan3A_226 : i32 to index
          %get3A_235 = arith.index_cast %mul3A_234 : i32 to index
          %get3A_236 = tpu.vector_load %arg7[%get3A, %get3A_235] {strides = array<i32>} : memref<32x1024xf32, #tpu.memory_space<vmem>>, vector<1x16xf32>,
          %get3A_237 = vector.shape_cast %get3A_236 : vector<1x16xf32> to vector<16xf32>
          %mul3A_238 = arith.constant 3.200000e+01 : f32
          %mul3A_239 = vector.broadcast %mul3A_238 : f32 to vector<16xf32>
          %mul3A_240 = arith.mulf %get3A_237, %mul3A_239 : vector<16xf32>
          %swap3A = arith.index_cast %scan3A_226 : i32 to index
          %swap3A_241 = arith.index_cast %mul3A_234 : i32 to index
          %swap3A_242 = tpu.vector_load %arg7[%swap3A, %swap3A_241] {strides = array<i32>} : memref<32x1024xf32, #tpu.memory_space<vmem>>, vector<1x16xf32>,
          %swap3A_243 = vector.shape_cast %swap3A_242 : vector<1x16xf32> to vector<16xf32>
          %swap3A_244 = vector.shape_cast %mul3A_240 : vector<16xf32> to vector<1x16xf32>
          tpu.vector_store %arg7[%swap3A, %swap3A_241], %swap3A_244 {strides = array<i32>} : memref<32x1024xf32, #tpu.memory_space<vmem>>, vector<1x16xf32>,
          %scan3A_245 = arith.constant 1 : i32
          %scan3A_246 = arith.addi %scan3A_232, %scan3A_245 : i32
          %mul3A_247 = arith.constant 16 : i32
          %mul3A_248 = arith.muli %scan3A_246, %mul3A_247 : i32
          %get3A_249 = arith.index_cast %scan3A_226 : i32 to index
          %get3A_250 = arith.index_cast %mul3A_248 : i32 to index
          %get3A_251 = tpu.vector_load %arg7[%get3A_249, %get3A_250] {strides = array<i32>} : memref<32x1024xf32, #tpu.memory_space<vmem>>, vector<1x16xf32>,
          %get3A_252 = vector.shape_cast %get3A_251 : vector<1x16xf32> to vector<16xf32>
          %mul3A_253 = arith.constant 3.200000e+01 : f32
          %mul3A_254 = vector.broadcast %mul3A_253 : f32 to vector<16xf32>
          %mul3A_255 = arith.mulf %get3A_252, %mul3A_254 : vector<16xf32>
          %swap3A_256 = arith.index_cast %scan3A_226 : i32 to index
          %swap3A_257 = arith.index_cast %mul3A_248 : i32 to index
          %swap3A_258 = tpu.vector_load %arg7[%swap3A_256, %swap3A_257] {strides = array<i32>} : memref<32x1024xf32, #tpu.memory_space<vmem>>, vector<1x16xf32>,
          %swap3A_259 = vector.shape_cast %swap3A_258 : vector<1x16xf32> to vector<16xf32>
          %swap3A_260 = vector.shape_cast %mul3A_255 : vector<16xf32> to vector<1x16xf32>
          tpu.vector_store %arg7[%swap3A_256, %swap3A_257], %swap3A_260 {strides = array<i32>} : memref<32x1024xf32, #tpu.memory_space<vmem>>, vector<1x16xf32>,
          %scan3A_261 = arith.constant 2 : i32
          %scan3A_262 = arith.addi %scan3A_232, %scan3A_261 : i32
          %mul3A_263 = arith.constant 16 : i32
          %mul3A_264 = arith.muli %scan3A_262, %mul3A_263 : i32
          %get3A_265 = arith.index_cast %scan3A_226 : i32 to index
          %get3A_266 = arith.index_cast %mul3A_264 : i32 to index
          %get3A_267 = tpu.vector_load %arg7[%get3A_265, %get3A_266] {strides = array<i32>} : memref<32x1024xf32, #tpu.memory_space<vmem>>, vector<1x16xf32>,
          %get3A_268 = vector.shape_cast %get3A_267 : vector<1x16xf32> to vector<16xf32>
          %mul3A_269 = arith.constant 3.200000e+01 : f32
          %mul3A_270 = vector.broadcast %mul3A_269 : f32 to vector<16xf32>
          %mul3A_271 = arith.mulf %get3A_268, %mul3A_270 : vector<16xf32>
          %swap3A_272 = arith.index_cast %scan3A_226 : i32 to index
          %swap3A_273 = arith.index_cast %mul3A_264 : i32 to index
          %swap3A_274 = tpu.vector_load %arg7[%swap3A_272, %swap3A_273] {strides = array<i32>} : memref<32x1024xf32, #tpu.memory_space<vmem>>, vector<1x16xf32>,
          %swap3A_275 = vector.shape_cast %swap3A_274 : vector<1x16xf32> to vector<16xf32>
          %swap3A_276 = vector.shape_cast %mul3A_271 : vector<16xf32> to vector<1x16xf32>
          tpu.vector_store %arg7[%swap3A_272, %swap3A_273], %swap3A_276 {strides = array<i32>} : memref<32x1024xf32, #tpu.memory_space<vmem>>, vector<1x16xf32>,
          %scan3A_277 = arith.constant 3 : i32
          %scan3A_278 = arith.addi %scan3A_232, %scan3A_277 : i32
          %mul3A_279 = arith.constant 16 : i32
          %mul3A_280 = arith.muli %scan3A_278, %mul3A_279 : i32
          %get3A_281 = arith.index_cast %scan3A_226 : i32 to index
          %get3A_282 = arith.index_cast %mul3A_280 : i32 to index
          %get3A_283 = tpu.vector_load %arg7[%get3A_281, %get3A_282] {strides = array<i32>} : memref<32x1024xf32, #tpu.memory_space<vmem>>, vector<1x16xf32>,
          %get3A_284 = vector.shape_cast %get3A_283 : vector<1x16xf32> to vector<16xf32>
          %mul3A_285 = arith.constant 3.200000e+01 : f32
          %mul3A_286 = vector.broadcast %mul3A_285 : f32 to vector<16xf32>
          %mul3A_287 = arith.mulf %get3A_284, %mul3A_286 : vector<16xf32>
          %swap3A_288 = arith.index_cast %scan3A_226 : i32 to index
          %swap3A_289 = arith.index_cast %mul3A_280 : i32 to index
          %swap3A_290 = tpu.vector_load %arg7[%swap3A_288, %swap3A_289] {strides = array<i32>} : memref<32x1024xf32, #tpu.memory_space<vmem>>, vector<1x16xf32>,
          %swap3A_291 = vector.shape_cast %swap3A_290 : vector<1x16xf32> to vector<16xf32>
          %swap3A_292 = vector.shape_cast %mul3A_287 : vector<16xf32> to vector<1x16xf32>
          tpu.vector_store %arg7[%swap3A_288, %swap3A_289], %swap3A_292 {strides = array<i32>} : memref<32x1024xf32, #tpu.memory_space<vmem>>, vector<1x16xf32>,
          %scan3A_293 = arith.constant 4 : i32
          %scan3A_294 = arith.addi %scan3A_232, %scan3A_293 : i32
          %mul3A_295 = arith.constant 16 : i32
          %mul3A_296 = arith.muli %scan3A_294, %mul3A_295 : i32
          %get3A_297 = arith.index_cast %scan3A_226 : i32 to index
          %get3A_298 = arith.index_cast %mul3A_296 : i32 to index
          %get3A_299 = tpu.vector_load %arg7[%get3A_297, %get3A_298] {strides = array<i32>} : memref<32x1024xf32, #tpu.memory_space<vmem>>, vector<1x16xf32>,
          %get3A_300 = vector.shape_cast %get3A_299 : vector<1x16xf32> to vector<16xf32>
          %mul3A_301 = arith.constant 3.200000e+01 : f32
          %mul3A_302 = vector.broadcast %mul3A_301 : f32 to vector<16xf32>
          %mul3A_303 = arith.mulf %get3A_300, %mul3A_302 : vector<16xf32>
          %swap3A_304 = arith.index_cast %scan3A_226 : i32 to index
          %swap3A_305 = arith.index_cast %mul3A_296 : i32 to index
          %swap3A_306 = tpu.vector_load %arg7[%swap3A_304, %swap3A_305] {strides = array<i32>} : memref<32x1024xf32, #tpu.memory_space<vmem>>, vector<1x16xf32>,
          %swap3A_307 = vector.shape_cast %swap3A_306 : vector<1x16xf32> to vector<16xf32>
          %swap3A_308 = vector.shape_cast %mul3A_303 : vector<16xf32> to vector<1x16xf32>
          tpu.vector_store %arg7[%swap3A_304, %swap3A_305], %swap3A_308 {strides = array<i32>} : memref<32x1024xf32, #tpu.memory_space<vmem>>, vector<1x16xf32>,
          %scan3A_309 = arith.constant 5 : i32
          %scan3A_310 = arith.addi %scan3A_232, %scan3A_309 : i32
          %mul3A_311 = arith.constant 16 : i32
          %mul3A_312 = arith.muli %scan3A_310, %mul3A_311 : i32
          %get3A_313 = arith.index_cast %scan3A_226 : i32 to index
          %get3A_314 = arith.index_cast %mul3A_312 : i32 to index
          %get3A_315 = tpu.vector_load %arg7[%get3A_313, %get3A_314] {strides = array<i32>} : memref<32x1024xf32, #tpu.memory_space<vmem>>, vector<1x16xf32>,
          %get3A_316 = vector.shape_cast %get3A_315 : vector<1x16xf32> to vector<16xf32>
          %mul3A_317 = arith.constant 3.200000e+01 : f32
          %mul3A_318 = vector.broadcast %mul3A_317 : f32 to vector<16xf32>
          %mul3A_319 = arith.mulf %get3A_316, %mul3A_318 : vector<16xf32>
          %swap3A_320 = arith.index_cast %scan3A_226 : i32 to index
          %swap3A_321 = arith.index_cast %mul3A_312 : i32 to index
          %swap3A_322 = tpu.vector_load %arg7[%swap3A_320, %swap3A_321] {strides = array<i32>} : memref<32x1024xf32, #tpu.memory_space<vmem>>, vector<1x16xf32>,
          %swap3A_323 = vector.shape_cast %swap3A_322 : vector<1x16xf32> to vector<16xf32>
          %swap3A_324 = vector.shape_cast %mul3A_319 : vector<16xf32> to vector<1x16xf32>
          tpu.vector_store %arg7[%swap3A_320, %swap3A_321], %swap3A_324 {strides = array<i32>} : memref<32x1024xf32, #tpu.memory_space<vmem>>, vector<1x16xf32>,
          %scan3A_325 = arith.constant 6 : i32
          %scan3A_326 = arith.addi %scan3A_232, %scan3A_325 : i32
          %mul3A_327 = arith.constant 16 : i32
          %mul3A_328 = arith.muli %scan3A_326, %mul3A_327 : i32
          %get3A_329 = arith.index_cast %scan3A_226 : i32 to index
          %get3A_330 = arith.index_cast %mul3A_328 : i32 to index
          %get3A_331 = tpu.vector_load %arg7[%get3A_329, %get3A_330] {strides = array<i32>} : memref<32x1024xf32, #tpu.memory_space<vmem>>, vector<1x16xf32>,
          %get3A_332 = vector.shape_cast %get3A_331 : vector<1x16xf32> to vector<16xf32>
          %mul3A_333 = arith.constant 3.200000e+01 : f32
          %mul3A_334 = vector.broadcast %mul3A_333 : f32 to vector<16xf32>
          %mul3A_335 = arith.mulf %get3A_332, %mul3A_334 : vector<16xf32>
          %swap3A_336 = arith.index_cast %scan3A_226 : i32 to index
          %swap3A_337 = arith.index_cast %mul3A_328 : i32 to index
          %swap3A_338 = tpu.vector_load %arg7[%swap3A_336, %swap3A_337] {strides = array<i32>} : memref<32x1024xf32, #tpu.memory_space<vmem>>, vector<1x16xf32>,
          %swap3A_339 = vector.shape_cast %swap3A_338 : vector<1x16xf32> to vector<16xf32>
          %swap3A_340 = vector.shape_cast %mul3A_335 : vector<16xf32> to vector<1x16xf32>
          tpu.vector_store %arg7[%swap3A_336, %swap3A_337], %swap3A_340 {strides = array<i32>} : memref<32x1024xf32, #tpu.memory_space<vmem>>, vector<1x16xf32>,
          %scan3A_341 = arith.constant 7 : i32
          %scan3A_342 = arith.addi %scan3A_232, %scan3A_341 : i32
          %mul3A_343 = arith.constant 16 : i32
          %mul3A_344 = arith.muli %scan3A_342, %mul3A_343 : i32
          %get3A_345 = arith.index_cast %scan3A_226 : i32 to index
          %get3A_346 = arith.index_cast %mul3A_344 : i32 to index
          %get3A_347 = tpu.vector_load %arg7[%get3A_345, %get3A_346] {strides = array<i32>} : memref<32x1024xf32, #tpu.memory_space<vmem>>, vector<1x16xf32>,
          %get3A_348 = vector.shape_cast %get3A_347 : vector<1x16xf32> to vector<16xf32>
          %mul3A_349 = arith.constant 3.200000e+01 : f32
          %mul3A_350 = vector.broadcast %mul3A_349 : f32 to vector<16xf32>
          %mul3A_351 = arith.mulf %get3A_348, %mul3A_350 : vector<16xf32>
          %swap3A_352 = arith.index_cast %scan3A_226 : i32 to index
          %swap3A_353 = arith.index_cast %mul3A_344 : i32 to index
          %swap3A_354 = tpu.vector_load %arg7[%swap3A_352, %swap3A_353] {strides = array<i32>} : memref<32x1024xf32, #tpu.memory_space<vmem>>, vector<1x16xf32>,
          %swap3A_355 = vector.shape_cast %swap3A_354 : vector<1x16xf32> to vector<16xf32>
          %swap3A_356 = vector.shape_cast %mul3A_351 : vector<16xf32> to vector<1x16xf32>
          tpu.vector_store %arg7[%swap3A_352, %swap3A_353], %swap3A_356 {strides = array<i32>} : memref<32x1024xf32, #tpu.memory_space<vmem>>, vector<1x16xf32>,
        }
        %scan3A_231 = arith.constant 64 : i32
      }
      %scan3A_202 = arith.constant 32 : i32
      %sub3A_203 = arith.constant 1 : i32
      %sub3A_204 = arith.subi %add3A_190, %sub3A_203 : i32
      %mul3A_205 = arith.constant 32 : i32
      %mul3A_206 = arith.muli %sub3A_204, %mul3A_205 : i32
      %add3A_207 = arith.addi %mul3A_2, %mul3A_206 : i32
      %dma_wait3A_208 = arith.constant 0 : i32
      %dma_wait3A_209 = tpu.memref_slice %arg4[%add3A_207, %dma_wait3A_208] : memref<8192x1024xf32, #tpu.memory_space<hbm>> -> memref<32x1024xf32, #tpu.memory_space<hbm>>
      %dma_wait3A_210 = arith.constant 0 : i32
      %dma_wait3A_211 = tpu.memref_slice %arg4[%add3A_207, %dma_wait3A_210] : memref<8192x1024xf32, #tpu.memory_space<hbm>> -> memref<32x1024xf32, #tpu.memory_space<hbm>>
      tpu.wait_dma2 semaphore(%arg12 : memref<!tpu.dma_semaphore, #tpu.memory_space<semaphore_mem>>) src(%arg6 : memref<32x1024xf32, #tpu.memory_space<vmem>>) dst(%dma_wait3A_211 : memref<32x1024xf32, #tpu.memory_space<hbm>>)
      %add3A_212 = arith.constant 2 : i32
      %add3A_213 = arith.addi %add3A_190, %add3A_212 : i32
      %lt3A_214 = arith.constant 8 : i32
      %lt3A_215 = arith.cmpi slt, %add3A_213, %lt3A_214 : i32
      %convert_element_type3A_216 = arith.extui %lt3A_215 : i1 to i32
      %cond3A_217 = arith.constant 0 : i32
      %cond3A_218 = arith.cmpi ne, %convert_element_type3A_216, %cond3A_217 : i32
      scf.if %cond3A_218 {
        %add3A_226 = arith.constant 2 : i32
        %add3A_227 = arith.addi %add3A_190, %add3A_226 : i32
        %mul3A_228 = arith.constant 32 : i32
        %mul3A_229 = arith.muli %add3A_227, %mul3A_228 : i32
        %dma_start3A_230 = tpu.memref_slice %arg5[%mul3A_229] : memref<256xi32, #tpu.memory_space<vmem>> -> memref<32xi32, #tpu.memory_space<vmem>>
        %dma_start3A_231 = arith.constant 0 : i32
        %dma_start3A_232 = arith.constant 0 : i32
        %dma_start3A_233 = tpu.memref_slice %arg3[%dma_start3A_231, %dma_start3A_232] : memref<100000x1024xf32, #tpu.memory_space<hbm>> -> memref<100000x1024xf32, #tpu.memory_space<hbm>>
        tpu.enqueue_indirect_dma source(%dma_start3A_233 : memref<100000x1024xf32, #tpu.memory_space<hbm>>) target(%arg6 : memref<32x1024xf32, #tpu.memory_space<vmem>>) offsets(%dma_start3A_230 : memref<32xi32, #tpu.memory_space<vmem>>) semaphore(%arg9 : memref<!tpu.dma_semaphore, #tpu.memory_space<semaphore_mem>>)
      } else {
      }
      %mul3A_219 = arith.constant 32 : i32
      %mul3A_220 = arith.muli %add3A_190, %mul3A_219 : i32
      %add3A_221 = arith.addi %mul3A_2, %mul3A_220 : i32
      %dma_start3A_222 = arith.constant 0 : i32
      %dma_start3A_223 = tpu.memref_slice %arg4[%add3A_221, %dma_start3A_222] : memref<8192x1024xf32, #tpu.memory_space<hbm>> -> memref<32x1024xf32, #tpu.memory_space<hbm>>
      %dma_start3A_224 = arith.constant 0 : i32
      %dma_start3A_225 = tpu.memref_slice %arg4[%add3A_221, %dma_start3A_224] : memref<8192x1024xf32, #tpu.memory_space<hbm>> -> memref<32x1024xf32, #tpu.memory_space<hbm>>
      tpu.enqueue_dma source(%arg7 : memref<32x1024xf32, #tpu.memory_space<vmem>>) target(%dma_start3A_225 : memref<32x1024xf32, #tpu.memory_space<hbm>>) target_semaphore(%arg13 : memref<!tpu.dma_semaphore, #tpu.memory_space<semaphore_mem>>)
    }
    %scan3A_97 = arith.constant 2 : i32
    %add3A_98 = arith.constant 224 : i32
    %add3A_99 = arith.addi %mul3A_2, %add3A_98 : i32
    %dma_wait3A_100 = arith.constant 0 : i32
    %dma_wait3A_101 = tpu.memref_slice %arg4[%add3A_99, %dma_wait3A_100] : memref<8192x1024xf32, #tpu.memory_space<hbm>> -> memref<32x1024xf32, #tpu.memory_space<hbm>>
    %dma_wait3A_102 = arith.constant 0 : i32
    %dma_wait3A_103 = tpu.memref_slice %arg4[%add3A_99, %dma_wait3A_102] : memref<8192x1024xf32, #tpu.memory_space<hbm>> -> memref<32x1024xf32, #tpu.memory_space<hbm>>
    tpu.wait_dma2 semaphore(%arg13 : memref<!tpu.dma_semaphore, #tpu.memory_space<semaphore_mem>>) src(%arg7 : memref<32x1024xf32, #tpu.memory_space<vmem>>) dst(%dma_wait3A_103 : memref<32x1024xf32, #tpu.memory_space<hbm>>)
    return
  }
}

</mosaic_0001>

<sc_bundles>
// kernel: kernel.3.cloned.1.call-start
scs
__scs_entry_jumppad:
0x0: {  	(pc) =	sbr.rel $0x88, $3  }
0x1: {  	(tag) =	ssettag $0x0;
	lr =	simm.s32 $0x1  }
0x2: {  	[smem:$0x3F9F] =	sst lr;
	_ =	strace $0xD0000000  }
0x3: {  	_ = 	snop  }
0x4: {  	_ = 	snop  }
0x5: {  	_ = 	snop  }
0x6: {  	_ = 	snop  }
0x7: {  	_ = 	snop  }
__scs_overlays_trampoline_lowered:
0x8: {  	[smem:$0x3FAE] =	sst s0  }
0x9: {  	[smem:$0x3FAF] =	sst s1  }
0xa: {  	[smem:$0x3FB0] =	sst s2  }
0xb: {  	[smem:$0x3FB1] =	sst s3  }
0xc: {  	[smem:$0x3FB2] =	sst s4  }
0xd: {  	[smem:$0x3FB3] =	sst s5  }
0xe: {  	[smem:$0x3FB4] =	sst s6  }
0xf: {  	[smem:$0x3FB5] =	sst s7  }
0x10: {  	[smem:$0x3FB6] =	sst s8  }
0x11: {  	[smem:$0x3FB7] =	sst s9;
	s0 =	simm.s32 @!p0 $0x0  }
0x12: {  	s1 =	sld [smem:$0x3F9D];
	s0 =	simm.s32 @p0 $0x1  }
0x13: {  	[smem:$0x3FB8] =	sst s0;
	s0 =	simm.s32 @!p1 $0x0  }
0x14: {  	s2 =	sld [smem:$0x3F9C];
	s0 =	simm.s32 @p1 $0x1  }
0x15: {  	[smem:$0x3FB9] =	sst s0;
	s0 =	simm.s32 @!p2 $0x0  }
0x16: {  	s3 =	sld [smem:$0x3FDB];
	s0 =	simm.s32 @p2 $0x1  }
0x17: {  	s4 =	simm.s32 $0x1BF5;
	[smem:$0x3FBB] =	sst s0  }
0x18: {  	s0 =	sld [smem:$0x3F9E];
	_ =	swait.ge [sflag:s4], $0x0  }
0x19: {  	s7 =	sld [smem:$0x3F9F]  }
0x1a: {  	s8 =	sadd.s32 $0xFFFFE003, lr  }
0x1b: {  	s9 =	sadd.s32 $0xFFFFFEF7, lr;
	s5 =	simm.s32 $0xFFFFFFFF;
	p2 =	slt.u32 s8, $0xFFFFF086  }
0x1c: {  	p1 =	slt.u32 s9, $0xF7A;
	s5 =	simm.s32 @!p2 $0x0  }
0x1d: {  	s5 =	simm.s32 @p1 $0x1;
	p0 =	seq.s32 s7, s2  }
0x1e: {  	s7 =	smul.u32 @!p0 $0xF7A, s2;
	p2 =	seq.s32 @!p0 s5, $0x0  }
0x1f: {  	s9 =	smul.u32 $0xF7A, s1;
	s8 =	simm.s32 @!p0 $0x1BF5;
	p2 =	por !p2, p0  }
0x20: {  	[sflag:s8] =	ssyncset.s32 @!p0 $0xFFFFF086;
	s6 =	sadd.s32 @!p0 s3, s7;
	s7 =	simm.s32 @!p0 $0x108  }
0x21: {  	s3 =	sadd.s32 s3, s9;
	s6 =	sadd.s32 @!p0 $0x88, s6;
	s7 =	simm.s32 @p2 $0x1082  }
0x22: {  	[simem:s7], [sflag:s8] =	dma.local @!p0 [hbm:s6], $0xF7A  }
0x23: {  	s9 =	sor.u32 $0xD0000000, s2;
	s6 =	simm.s32 $0x108;
	_ =	swait.ge @!p0 [sflag:s8], $0x0  }
0x24: {  	s3 =	sadd.s32 $0x88, s3;
	s6 =	simm.s32 @!p1 $0x1082;
	[sflag:s4] =	ssyncset.s32 $0xFFFFF086  }
0x25: {  	[simem:s6], [sflag:s4] =	dma.local [hbm:s3], $0xF7A  }
0x26: {  	[smem:$0x3F9F] =	sst s1;
	(tag) =	ssettag s2;
	_ =	strace s9  }
0x27: {  	s1 =	sld [smem:$0x3FAF]  }
0x28: {  	s2 =	sld [smem:$0x3FB0]  }
0x29: {  	s4 =	sld [smem:$0x3FB2]  }
0x2a: {  	p0 =	seq.s32 s5, $0x0;
	s5 =	sld [smem:$0x3FB3]  }
0x2b: {  	s6 =	sld [smem:$0x3FB4]  }
0x2c: {  	s7 =	sld [smem:$0x3FB5]  }
0x2d: {  	s3 =	simm.s32 $0x108;
	s8 =	sld [smem:$0x3FB6]  }
0x2e: {  	s3 =	simm.s32 @!p0 $0x1082;
	s9 =	sld [smem:$0x3FB7]  }
0x2f: {  	lr =	sadd.s32 s0, s3;
	s0 =	sld [smem:$0x3FAE]  }
0x30: {  	s3 =	sld [smem:$0x3FB1]  }
0x31: {  	[smem:$0x3FBA] =	sst s10  }
0x32: {  	s10 =	sld [smem:$0x3FB8];
	_ =	sdelay $0x3  }
0x33: {  	p0 =	seq.s32 s10, $0x1;
	s10 =	sld [smem:$0x3FBA];
	_ =	sdelay $0x3  }
0x34: {  	[smem:$0x3FBA] =	sst s10  }
0x35: {  	s10 =	sld [smem:$0x3FB9];
	_ =	sdelay $0x3  }
0x36: {  	p1 =	seq.s32 s10, $0x1;
	s10 =	sld [smem:$0x3FBA];
	_ =	sdelay $0x3  }
0x37: {  	[smem:$0x3FBA] =	sst s10  }
0x38: {  	s10 =	sld [smem:$0x3FBB]  }
0x39: {  	_ = 	snop;
	(pc) =	sbr.ind lr, $3  }
0x3a: {  	_ = 	snop  }
0x3b: {  	_ = 	snop  }
0x3c: {  	p2 =	seq.s32 s10, $0x1;
	s10 =	sld [smem:$0x3FBA]  }
0x3d: {  	_ =	shalt  }
0x3e: {  	_ =	shalt  }
0x3f: {  	_ =	shalt  }
0x40: {  	_ =	shalt  }
0x41: {  	_ =	shalt  }
0x42: {  	_ =	shalt  }
0x43: {  	_ =	shalt  }
0x44: {  	_ =	shalt  }
0x45: {  	_ =	shalt  }
0x46: {  	_ =	shalt  }
0x47: {  	_ =	shalt  }
0x48: {  	_ =	shalt  }
0x49: {  	_ =	shalt  }
0x4a: {  	_ =	shalt  }
0x4b: {  	_ =	shalt  }
0x4c: {  	_ =	shalt  }
0x4d: {  	_ =	shalt  }
0x4e: {  	_ =	shalt  }
0x4f: {  	_ =	shalt  }
0x50: {  	_ =	shalt  }
0x51: {  	_ =	shalt  }
0x52: {  	_ =	shalt  }
0x53: {  	_ =	shalt  }
0x54: {  	_ =	shalt  }
0x55: {  	_ =	shalt  }
0x56: {  	_ =	shalt  }
0x57: {  	_ =	shalt  }
0x58: {  	_ =	shalt  }
0x59: {  	_ =	shalt  }
0x5a: {  	_ =	shalt  }
0x5b: {  	_ =	shalt  }
0x5c: {  	_ =	shalt  }
0x5d: {  	_ =	shalt  }
0x5e: {  	_ =	shalt  }
0x5f: {  	_ =	shalt  }
0x60: {  	_ =	shalt  }
0x61: {  	_ =	shalt  }
0x62: {  	_ =	shalt  }
0x63: {  	_ =	shalt  }
0x64: {  	_ =	shalt  }
0x65: {  	_ =	shalt  }
0x66: {  	_ =	shalt  }
0x67: {  	_ =	shalt  }
0x68: {  	_ =	shalt  }
0x69: {  	_ =	shalt  }
0x6a: {  	_ =	shalt  }
0x6b: {  	_ =	shalt  }
0x6c: {  	_ =	shalt  }
0x6d: {  	_ =	shalt  }
0x6e: {  	_ =	shalt  }
0x6f: {  	_ =	shalt  }
0x70: {  	_ =	shalt  }
0x71: {  	_ =	shalt  }
0x72: {  	_ =	shalt  }
0x73: {  	_ =	shalt  }
0x74: {  	_ =	shalt  }
0x75: {  	_ =	shalt  }
0x76: {  	_ =	shalt  }
0x77: {  	_ =	shalt  }
0x78: {  	_ =	shalt  }
0x79: {  	_ =	shalt  }
0x7a: {  	_ =	shalt  }
0x7b: {  	_ =	shalt  }
0x7c: {  	_ =	shalt  }
0x7d: {  	_ =	shalt  }
0x7e: {  	_ =	shalt  }
0x7f: {  	_ =	shalt  }
0x80: {  	_ =	shalt  }
0x81: {  	_ =	shalt  }
0x82: {  	_ =	shalt  }
0x83: {  	_ =	shalt  }
0x84: {  	_ =	shalt  }
0x85: {  	_ =	shalt  }
0x86: {  	_ =	shalt  }
0x87: {  	_ =	shalt  }
.Lfunc_end0:
.L_simem_size_0:
called_computation_lowered:
.L_overlay_start_0:
0x88: {  	s2 =	sld [smem:$0x3FD9]  }
0x89: {  	s3 =	sld [smem:$0x3FFE];
	_ =	sdelay $0x1  }
0x8a: {  	s1 =	srdreg.scid  }
0x8b: {  	s0 =	sand.u32 $0x1, s1  }
0x8c: {  	s18 =	sshll.u32 s0, $0xA;
	s2 =	sadd.s32 s3, s2  }
0x8d: {  	s2 =	sadd.s32 s2, s18  }
0x8e: {  	[smem:$0x3FC6] =	sst s2  }
0x8f: {  	_ = 	snop  }
0x90: {  	s2 =	sld [smem:$0x3FC9]  }
0x91: {  	s19 =	sld [smem:$0x3FC8]  }
0x92: {  	s4 =	sld [smem:$0x3FD0];
	(tm) =	ssettm $0x1  }
0x93: {  	s5 =	sld [smem:$0x3FFB];
	_ =	sdelay $0x3  }
0x94: {  	_ =	strace s5  }
0x95: {  	s5 =	sld [smem:$0x3FFC];
	_ =	sdelay $0x3  }
0x96: {  	_ =	strace s5  }
0x97: {  	s5 =	sld [smem:$0x3FFD];
	_ =	sdelay $0x3  }
0x98: {  	_ =	strace s5  }
0x99: {  	_ =	strace $0x8FFFFFFF  }
0x9a: {  	s20 =	sld [smem:$0x3FDB];
	_ =	sdelay $0x1  }
0x9b: {  	s6 =	simm.s32 $_scs_section_size  }
0x9c: {  	s7 =	simm.s32 $_size__tile_overlayer_lowered;
	s8 =	simm.s32 $_tile_overlayer_lowered  }
0x9d: {  	s23 =	simm.s32 $0x1BFF;
	s22 =	sshll.u32 s8, $0x1;
	s5 =	sadd.s32 s6, s20  }
0x9e: {  	s9 =	simm.s32 $0x0;
	s21 =	sshll.u32 s7, $0x1;
	s7 =	sadd.s32 s22, s5  }
0x9f: {  	[timem:s9], [sflag:s23] =	dma.local [hbm:s7], s21  }
0xa0: {  	_ =	swait.ge [sflag:s23], s21  }
0xa1: {  	s6 =	ssub.s32 $0x0, s21;
	[sflag:s23] =	ssyncset.done $0x0  }
0xa2: {  	[sflag:s23] =	ssyncadd.s32 s6;
	_ =	sdelay $0x1  }
0xa3: {  	s24 =	simm.s32 $0x1B8B  }
0xa4: {  	_ =	swait.ge [sflag:s24], $0x1  }
0xa5: {  	[sflag:s24] =	ssyncset.done $0x0  }
0xa6: {  	s25 =	simm.s32 $0x1B8E;
	[sflag:s24] =	ssyncadd.s32 $0xFFFFFFFF  }
0xa7: {  	s26 =	simm.s32 $execute0_lowered;
	[smem:$0x3FD2] =	sst s25  }
0xa8: {  	s6 =	sshll.u32 s26, $0x1;
	_ =	strace $0x80000046;
	[dreg:$0x1] =	wrdreg $0xFFFFFFFF  }
0xa9: {  	s28 =	simm.s32 $_size_execute0_lowered;
	s5 =	sadd.s32 s5, s6;
	[dreg:$0x0] =	wrdreg $0x0  }
0xaa: {  	s6 =	sshll.u32 s28, $0x1;
	[dreg:$0x2] =	wrdreg s5  }
0xab: {  	[dreg:$0x3] =	wrdreg s6  }
0xac: {  	[dreg:$0x4] =	wrdreg $0xC0  }
0xad: {  	_ =	task [dreg:s9], $0x5FFFF  }
0xae: {  	[dreg:$0x1] =	wrdreg $0xFFFFFFFF  }
0xaf: {  	[dreg:$0x0] =	wrdreg $0x60  }
0xb0: {  	[dreg:$0x2] =	wrdreg s2  }
0xb1: {  	[dreg:$0x3] =	wrdreg s19  }
0xb2: {  	[dreg:$0x4] =	wrdreg s4  }
0xb3: {  	[dreg:$0x5] =	wrdreg $0x9  }
0xb4: {  	_ =	task.clear_ibuf [dreg:s9], $0x6FFFF;
	_ =	strace $0x90000046  }
0xb5: {  	s29 =	simm.s32 $0x9;
	_ =	strace $0x80000048  }
0xb6: {  	_ =	swait.ge [sflag:s29], $0x1  }
0xb7: {  	[sflag:s29] =	ssyncadd.s32 $0xFFFFFFFF  }
0xb8: {  	_ =	strace $0x90000048  }
0xb9: {  	_ =	sfence  }
0xba: {  	s30 =	sld [smem:$0x0];
	_ =	sdelay $0x2  }
0xbb: {  	s31 =	sshll.u32 s1, $0xD;
	s1 =	sshrl.u32 s1, $0x2  }
0xbc: {  	s3 =	sand.u32 $0x4000, s31;
	s1 =	sadd.s32 s1, s30  }
0xbd: {  	s0 =	sor.u32 s3, s0;
	s1 =	sshll.u32 s1, $0x11  }
0xbe: {  	s0 =	sor.u32 s1, s0  }
0xbf: {  	s0 =	sadd.s32 $0x8F2B, s0  }
0xc0: {  	[sflag:s0] =	ssyncadd.remote.s32 $0x1  }
0xc1: {  	_ =	sfence.sel $0xFFFF  }
0xc2: {  	[dreg:$0x0] =	wrdreg $0xFFFFFFFF;
	(pc) =	sbr.abs _section_cstart, $3  }
0xc3: {  	[dreg:$0x1] =	wrdreg $0xFFFFFFFF  }
0xc4: {  	_ =	task.clear_ibuf [dreg:s9], $0x2FFFF;
	_ =	strace $0x9FFFFFFF  }
0xc5: {  	(tm) =	ssettm $0x7FFFFFFF  }
tec
execute0_lowered:
.L_overlay_start_1:
0x0: {  	(tag) =	ssettag $0x1  }
0x1: {  	s0 =	rddreg [dreg:$0x0]  }
0x2: {  	s1 =	rddreg [dreg:$0x1]  }
0x3: {  	s2 =	rddreg [dreg:$0x2]  }
0x4: {  	s4 =	simm.s32 $0x0;
	s3 =	srdreg.scid;
	s7 =	stileid.u32  }
0x5: {  	s17 =	simm.s32 $0x100;
	s14 =	simm.s32 $0x8100;
	s28 =	simm.s32 $0xF900  }
0x6: {  	s29 =	simm.s32 $0x1;
	s30 =	simm.s32 $0x10100;
	s31 =	simm.s32 $0x2  }
0x7: {  	s15 =	simm.s32 $0x5;
	s13 =	simm.s32 $0x0;
	[smem:$0x7FF] =	sst s4  }
0x8: {  	s3 =	sand.u32 $0x1, s3;
	s5 =	sshll.u32 s7, $0x1;
	s21 =	sshll.u32 s7, $0x2  }
0x9: {  	s7 =	sadd.s32 $0x200, s1;
	s9 =	sadd.s32 $0x300, s1;
	_ =	strace $0x80000047  }
0xa: {  	s6 =	ssub.s32 $0x2, s3;
	s3 =	sor.u32 s3, s5;
	s5 =	sand.u32 $0x30, s21  }
0xb: {  	s22 =	sshrl.u32 s6, $0x1;
	s8 =	sshll.u32 s3, $0x7;
	s0 =	sadd.s32 s0, s5  }
0xc: {  	s24 =	sshll.u32 s3, $0x8;
	s25 =	sshll.u32 s3, $0xF;
	s3 =	simm.s32 $0x3  }
0xd: {  	s5 =	simm.s32 $0x6;
	s10 =	ssub.s32 s6, s22;
	s23 =	sand.u32 $0x380, s8  }
.Ltmp0:
0xe: {  	s6 =	sadd.s32 $0x100, s1;
	s8 =	sadd.s32 s2, s25;
	(pc) =	sbr.rel .LBB2_1-.Ltmp0, $4  }
0xf: {  	s11 =	sor.u32 $0x40, s24;
	s12 =	sor.u32 $0x60, s24;
	s0 =	sadd.s32 s23, s0  }
0x10: {  	v2 =	vlaneseq.u32;
	s24 =	simm.s32 $0xE100;
	s26 =	smax.u32 s10, $0x1;
	[dreg:$0x4] =	wrdreg s0  }
0x11: {  	vm0 =	vmmov $0xffff;
	v1 =	vshrl.u32 v2, $0x3;
	s25 =	simm.s32 $0xE900;
	s0 =	sadd.s32 $0x1000, s8;
	[dreg:$0x6] =	wrdreg s26  }
0x12: {  	v0 =	vand.u32 $0x7, v2;
	v2 =	vor.u32 $0x8, v2;
	v1 =	vmul.u32 $0x8, v1;
	s26 =	simm.s32 $0xF100;
	[dreg:$0x5] =	wrdreg s0;
	s0 =	simm.s32 $0x4  }
.LBB2_24:
0x13: {  	s10 =	sshll.u32 s10, $0xC  }
0x14: {  	s10 =	sadd.s32 s10, s8  }
0x15: {  	[hbm4b:s10+s4] =	stream.linear.scatter [tilespmem:s14], [sflag:$0x5], $0x8000, $0x38;
	[tilespmem:$0x18100] =	vst v63  }
0x16: {  	_ =	swait.ge [sflag:s15], $0x8000  }
0x17: {  	s13 =	rddreg [dreg:$0x7]  }
0x18: {  	s23 =	rddreg [dreg:$0x6];
	s13 =	sadd.s32 $0x1, s13  }
0x19: {  	p0 =	sne.s32 s13, s23  }
.Ltmp1:
0x1a: {  	_ = 	snop;
	(pc) =	sbr.rel @!p0 .LBB2_25-.Ltmp1, $3  }
0x1b: {  	_ =	sdelay $0x1  }
0x1c: {  	[sflag:s15] =	ssyncset.done $0x0  }
0x1d: {  	[sflag:s15] =	ssyncadd.s32 $0xFFFF8000  }
.LBB2_1:
0x1e: {  	[dreg:$0x7] =	wrdreg s13  }
0x1f: {  	s10 =	rddreg [dreg:$0x4]  }
0x20: {  	s20 =	simm.s32 $0x80;
	s16 =	simm.s32 $0x200;
	s21 =	simm.s32 $0x7  }
0x21: {  	[tilespmem:s4], [sflag:$0x7] =	stream.strided.gather [hbm4b:s10+s20], $0x100, s16, s20, $0x38;
	[tilespmem:$0x18100] =	vst v63  }
0x22: {  	_ =	swait.ge [sflag:s21], $0x100  }
0x23: {  	[sflag:s21] =	ssyncset.done $0x0  }
0x24: {  	[sflag:s21] =	ssyncadd.s32 $0xFFFFFF00  }
0x25: {  	v3 =	vld [tilespmem:$0x0];
	_ =	sdelay $0x4  }
0x26: {  	v4 =	vshll.u32 v3, $0x3  }
0x27: {  	v3 =	vand.u32 $0x7, v3;
	v4 =	vand.u32 $0xFFFFFFC0, v4  }
0x28: {  	v3 =	vor.u32 v3, v4  }
0x29: {  	v4 =	vperm.xlane v3, v0;
	_ =	sdelay $0x1  }
0x2a: {  	v4 =	vadd.s32 v1, v4;
	_ =	sdelay $0x4  }
0x2b: {  	[tilespmem:s17], [sflag:$0x1] =	stream.indirect_vreg.gather [hbm4b:s1+s4], $0x80, v4, vm0, $0xb8;
	[tilespmem:$0x18100] =	vst v63  }
0x2c: {  	s22 =	simm.s32 $0x900;
	v3 =	vperm.xlane v3, v2  }
0x2d: {  	[tilespmem:s22], [sflag:$0x1] =	stream.indirect_vreg.gather [hbm4b:s6+s4], $0x80, v4, vm0, $0xb8;
	[tilespmem:$0x18100] =	vst v63  }
0x2e: {  	s23 =	simm.s32 $0x1100;
	v3 =	vadd.s32 v1, v3  }
0x2f: {  	[tilespmem:s23], [sflag:$0x1] =	stream.indirect_vreg.gather [hbm4b:s7+s4], $0x80, v4, vm0, $0xb8;
	[tilespmem:$0x18100] =	vst v63  }
0x30: {  	s13 =	simm.s32 $0x1900  }
0x31: {  	[tilespmem:s13], [sflag:$0x1] =	stream.indirect_vreg.gather [hbm4b:s9+s4], $0x80, v4, vm0, $0xb8;
	[tilespmem:$0x18100] =	vst v63  }
0x32: {  	s16 =	simm.s32 $0x2100  }
0x33: {  	[tilespmem:s16], [sflag:$0x1] =	stream.indirect_vreg.gather [hbm4b:s1+s4], $0x80, v3, vm0, $0xb8;
	[tilespmem:$0x18100] =	vst v63  }
0x34: {  	s18 =	simm.s32 $0x2900  }
0x35: {  	[tilespmem:s18], [sflag:$0x1] =	stream.indirect_vreg.gather [hbm4b:s6+s4], $0x80, v3, vm0, $0xb8;
	[tilespmem:$0x18100] =	vst v63  }
0x36: {  	s19 =	simm.s32 $0x3100  }
0x37: {  	[tilespmem:s19], [sflag:$0x1] =	stream.indirect_vreg.gather [hbm4b:s7+s4], $0x80, v3, vm0, $0xb8;
	[tilespmem:$0x18100] =	vst v63  }
0x38: {  	s20 =	simm.s32 $0x3900  }
0x39: {  	[tilespmem:s20], [sflag:$0x1] =	stream.indirect_vreg.gather [hbm4b:s9+s4], $0x80, v3, vm0, $0xb8;
	[tilespmem:$0x18100] =	vst v63  }
0x3a: {  	v3 =	vld [tilespmem:$0x10];
	_ =	sdelay $0x4  }
0x3b: {  	v61 =	vshll.u32 v3, $0x3  }
0x3c: {  	v3 =	vand.u32 $0x7, v3;
	v4 =	vand.u32 $0xFFFFFFC0, v61  }
0x3d: {  	v3 =	vor.u32 v3, v4  }
0x3e: {  	v4 =	vperm.xlane v3, v0;
	_ =	sdelay $0x1  }
0x3f: {  	v4 =	vadd.s32 v1, v4;
	_ =	sdelay $0x3  }
0x40: {  	s21 =	simm.s32 $0x4100  }
0x41: {  	[tilespmem:s21], [sflag:$0x1] =	stream.indirect_vreg.gather [hbm4b:s1+s4], $0x80, v4, vm0, $0xb8;
	[tilespmem:$0x18100] =	vst v63  }
0x42: {  	s22 =	simm.s32 $0x4900;
	v3 =	vperm.xlane v3, v2  }
0x43: {  	[tilespmem:s22], [sflag:$0x1] =	stream.indirect_vreg.gather [hbm4b:s6+s4], $0x80, v4, vm0, $0xb8;
	[tilespmem:$0x18100] =	vst v63  }
0x44: {  	s23 =	simm.s32 $0x5100;
	v3 =	vadd.s32 v1, v3  }
0x45: {  	[tilespmem:s23], [sflag:$0x1] =	stream.indirect_vreg.gather [hbm4b:s7+s4], $0x80, v4, vm0, $0xb8;
	[tilespmem:$0x18100] =	vst v63  }
0x46: {  	s13 =	simm.s32 $0x5900  }
0x47: {  	[tilespmem:s13], [sflag:$0x1] =	stream.indirect_vreg.gather [hbm4b:s9+s4], $0x80, v4, vm0, $0xb8;
	[tilespmem:$0x18100] =	vst v63  }
0x48: {  	s16 =	simm.s32 $0x6100  }
0x49: {  	[tilespmem:s16], [sflag:$0x1] =	stream.indirect_vreg.gather [hbm4b:s1+s4], $0x80, v3, vm0, $0xb8;
	[tilespmem:$0x18100] =	vst v63  }
0x4a: {  	s18 =	simm.s32 $0x6900  }
0x4b: {  	[tilespmem:s18], [sflag:$0x1] =	stream.indirect_vreg.gather [hbm4b:s6+s4], $0x80, v3, vm0, $0xb8;
	[tilespmem:$0x18100] =	vst v63  }
0x4c: {  	s19 =	simm.s32 $0x7100  }
0x4d: {  	[tilespmem:s19], [sflag:$0x1] =	stream.indirect_vreg.gather [hbm4b:s7+s4], $0x80, v3, vm0, $0xb8;
	[tilespmem:$0x18100] =	vst v63  }
0x4e: {  	s20 =	simm.s32 $0x7900  }
0x4f: {  	[tilespmem:s20], [sflag:$0x1] =	stream.indirect_vreg.gather [hbm4b:s9+s4], $0x80, v3, vm0, $0xb8;
	[tilespmem:$0x18100] =	vst v63  }
0x50: {  	v3 =	vld [tilespmem:$0x20];
	_ =	sdelay $0x4  }
0x51: {  	v62 =	vshll.u32 v3, $0x3  }
0x52: {  	v3 =	vand.u32 $0x7, v3;
	v4 =	vand.u32 $0xFFFFFFC0, v62  }
0x53: {  	v3 =	vor.u32 v3, v4  }
0x54: {  	v4 =	vperm.xlane v3, v0;
	_ =	sdelay $0x1  }
0x55: {  	v4 =	vadd.s32 v1, v4;
	_ =	sdelay $0x4  }
0x56: {  	[tilespmem:s14], [sflag:$0x2] =	stream.indirect_vreg.gather [hbm4b:s1+s4], $0x80, v4, vm0, $0xb8;
	[tilespmem:$0x18100] =	vst v63  }
0x57: {  	s21 =	simm.s32 $0x8900;
	v3 =	vperm.xlane v3, v2  }
0x58: {  	[tilespmem:s21], [sflag:$0x2] =	stream.indirect_vreg.gather [hbm4b:s6+s4], $0x80, v4, vm0, $0xb8;
	[tilespmem:$0x18100] =	vst v63  }
0x59: {  	s22 =	simm.s32 $0x9100;
	v3 =	vadd.s32 v1, v3  }
0x5a: {  	[tilespmem:s22], [sflag:$0x2] =	stream.indirect_vreg.gather [hbm4b:s7+s4], $0x80, v4, vm0, $0xb8;
	[tilespmem:$0x18100] =	vst v63  }
0x5b: {  	s23 =	simm.s32 $0x9900  }
0x5c: {  	[tilespmem:s23], [sflag:$0x2] =	stream.indirect_vreg.gather [hbm4b:s9+s4], $0x80, v4, vm0, $0xb8;
	[tilespmem:$0x18100] =	vst v63  }
0x5d: {  	s13 =	simm.s32 $0xA100  }
0x5e: {  	[tilespmem:s13], [sflag:$0x2] =	stream.indirect_vreg.gather [hbm4b:s1+s4], $0x80, v3, vm0, $0xb8;
	[tilespmem:$0x18100] =	vst v63  }
0x5f: {  	s16 =	simm.s32 $0xA900  }
0x60: {  	[tilespmem:s16], [sflag:$0x2] =	stream.indirect_vreg.gather [hbm4b:s6+s4], $0x80, v3, vm0, $0xb8;
	[tilespmem:$0x18100] =	vst v63  }
0x61: {  	s18 =	simm.s32 $0xB100  }
0x62: {  	[tilespmem:s18], [sflag:$0x2] =	stream.indirect_vreg.gather [hbm4b:s7+s4], $0x80, v3, vm0, $0xb8;
	[tilespmem:$0x18100] =	vst v63  }
0x63: {  	s19 =	simm.s32 $0xB900  }
0x64: {  	[tilespmem:s19], [sflag:$0x2] =	stream.indirect_vreg.gather [hbm4b:s9+s4], $0x80, v3, vm0, $0xb8;
	[tilespmem:$0x18100] =	vst v63  }
0x65: {  	v3 =	vld [tilespmem:$0x30];
	_ =	sdelay $0x4  }
0x66: {  	v63 =	vshll.u32 v3, $0x3  }
0x67: {  	v3 =	vand.u32 $0x7, v3;
	v4 =	vand.u32 $0xFFFFFFC0, v63  }
0x68: {  	v3 =	vor.u32 v3, v4  }
0x69: {  	v4 =	vperm.xlane v3, v0;
	_ =	sdelay $0x1  }
0x6a: {  	v4 =	vadd.s32 v1, v4;
	_ =	sdelay $0x3  }
0x6b: {  	s20 =	simm.s32 $0xC100  }
0x6c: {  	[tilespmem:s20], [sflag:$0x2] =	stream.indirect_vreg.gather [hbm4b:s1+s4], $0x80, v4, vm0, $0xb8;
	[tilespmem:$0x18100] =	vst v63  }
0x6d: {  	s21 =	simm.s32 $0xC900;
	v3 =	vperm.xlane v3, v2  }
0x6e: {  	[tilespmem:s21], [sflag:$0x2] =	stream.indirect_vreg.gather [hbm4b:s6+s4], $0x80, v4, vm0, $0xb8;
	[tilespmem:$0x18100] =	vst v63  }
0x6f: {  	s22 =	simm.s32 $0xD100;
	v3 =	vadd.s32 v1, v3  }
0x70: {  	[tilespmem:s22], [sflag:$0x2] =	stream.indirect_vreg.gather [hbm4b:s7+s4], $0x80, v4, vm0, $0xb8;
	[tilespmem:$0x18100] =	vst v63  }
0x71: {  	s23 =	simm.s32 $0xD900  }
0x72: {  	[tilespmem:s23], [sflag:$0x2] =	stream.indirect_vreg.gather [hbm4b:s9+s4], $0x80, v4, vm0, $0xb8;
	[tilespmem:$0x18100] =	vst v63  }
0x73: {  	_ = 	snop  }
0x74: {  	[tilespmem:s24], [sflag:$0x2] =	stream.indirect_vreg.gather [hbm4b:s1+s4], $0x80, v3, vm0, $0xb8;
	[tilespmem:$0x18100] =	vst v63  }
0x75: {  	_ = 	snop  }
0x76: {  	[tilespmem:s25], [sflag:$0x2] =	stream.indirect_vreg.gather [hbm4b:s6+s4], $0x80, v3, vm0, $0xb8;
	[tilespmem:$0x18100] =	vst v63  }
0x77: {  	_ = 	snop  }
0x78: {  	[tilespmem:s26], [sflag:$0x2] =	stream.indirect_vreg.gather [hbm4b:s7+s4], $0x80, v3, vm0, $0xb8;
	[tilespmem:$0x18100] =	vst v63  }
0x79: {  	_ = 	snop  }
0x7a: {  	[tilespmem:s28], [sflag:$0x2] =	stream.indirect_vreg.gather [hbm4b:s9+s4], $0x80, v3, vm0, $0xb8;
	[tilespmem:$0x18100] =	vst v63  }
0x7b: {  	_ =	swait.ge [sflag:s29], $0x8000  }
0x7c: {  	s10 =	simm.s32 $0x0;
	[sflag:s29] =	ssyncset.done $0x0  }
0x7d: {  	s13 =	simm.s32 $0x0;
	s16 =	simm.s32 $0x0;
	[sflag:s29] =	ssyncadd.s32 $0xFFFF8000  }
.LBB2_2:
0x7e: {  	s18 =	sshll.u32 s13, $0x2;
	s19 =	sand.u32 $0x7, s10  }
0x7f: {  	s18 =	sand.u32 $0xFFFF8000, s18;
	s19 =	sshll.u32 s19, $0x9  }
0x80: {  	s18 =	sor.u32 s19, s18  }
0x81: {  	s18 =	sshrl.u32 s18, $0x2  }
0x82: {  	s18 =	sadd.s32 $0x140, s18  }
0x83: {  	v4 =	vld [tilespmem:s18+$0xFFFFFFC0];
	_ =	sdelay $0x1  }
0x84: {  	v7 =	vld [tilespmem:s18+$0xFFFFFFD0]  }
0x85: {  	v9 =	vld [tilespmem:s18+$0xFFFFFFE0]  }
0x86: {  	v5 =	vld [tilespmem:s18+$0x0]  }
0x87: {  	v3 =	vld [tilespmem:s18+$0x10];
	v8 =	vmul.f32 $3.200000000e+01, v4  }
0x88: {  	v6 =	vld [tilespmem:s18+$0x20]  }
0x89: {  	v4 =	vld [tilespmem:s18+$0x30];
	[tilespmem:s18+$0xFFFFFFC0] =	vst v8;
	v8 =	vmul.f32 $3.200000000e+01, v7  }
0x8a: {  	s19 =	simm.s32 $0x0;
	s20 =	sadd.s32 $0x400, s18;
	v9 =	vmul.f32 $3.200000000e+01, v9;
	v7 =	vld [tilespmem:s18+$0xFFFFFFF0]  }
.LBB2_3:
0x8b: {  	v10 =	vld [tilespmem:s20+$0xFFFFFFC0];
	[tilespmem:s18+$0xFFFFFFD0] =	vst v8;
	v5 =	vmul.f32 $3.200000000e+01, v5  }
0x8c: {  	s19 =	sadd.s32 $0x8, s19;
	v8 =	vld [tilespmem:s20+$0xFFFFFFD0];
	[tilespmem:s18+$0xFFFFFFE0] =	vst v9;
	v3 =	vmul.f32 $3.200000000e+01, v3  }
0x8d: {  	p0 =	slt.u32 s19, $0x38;
	v9 =	vld [tilespmem:s20+$0xFFFFFFE0];
	[tilespmem:s18+$0x0] =	vst v5;
	v6 =	vmul.f32 $3.200000000e+01, v6  }
.Ltmp2:
0x8e: {  	v5 =	vld [tilespmem:s20+$0x0];
	[tilespmem:s18+$0x10] =	vst v3;
	v4 =	vmul.f32 $3.200000000e+01, v4;
	(pc) =	sbr.rel @p0 .LBB2_3-.Ltmp2, $4  }
0x8f: {  	v3 =	vld [tilespmem:s20+$0x10];
	v7 =	vmul.f32 $3.200000000e+01, v7;
	[tilespmem:s18+$0x20] =	vst v6  }
0x90: {  	v10 =	vmul.f32 $3.200000000e+01, v10;
	v6 =	vld [tilespmem:s20+$0x20];
	[tilespmem:s18+$0x30] =	vst v4  }
0x91: {  	v8 =	vmul.f32 $3.200000000e+01, v8;
	v4 =	vld [tilespmem:s20+$0x30];
	[tilespmem:s18+$0xFFFFFFF0] =	vst v7;
	s18 =	smov.u32 s20  }
0x92: {  	s20 =	sadd.s32 $0x400, s20;
	[tilespmem:s18+$0xFFFFFFC0] =	vst v10;
	v9 =	vmul.f32 $3.200000000e+01, v9;
	v7 =	vld [tilespmem:s18+$0xFFFFFFF0]  }
0x93: {  	[tilespmem:s18+$0xFFFFFFD0] =	vst v8;
	v5 =	vmul.f32 $3.200000000e+01, v5;
	s16 =	sadd.s32 $0x1, s16  }
0x94: {  	[tilespmem:s18+$0xFFFFFFE0] =	vst v9;
	v3 =	vmul.f32 $3.200000000e+01, v3;
	p0 =	sne.s32 s16, $0x20  }
.Ltmp3:
0x95: {  	[tilespmem:s18+$0x0] =	vst v5;
	v62 =	vmul.f32 $3.200000000e+01, v6;
	(pc) =	sbr.rel @p0 .LBB2_2-.Ltmp3, $4  }
0x96: {  	[tilespmem:s18+$0x10] =	vst v3;
	v3 =	vmul.f32 $3.200000000e+01, v4  }
0x97: {  	v63 =	vmul.f32 $3.200000000e+01, v7;
	[tilespmem:s18+$0x20] =	vst v62  }
0x98: {  	[tilespmem:s18+$0x30] =	vst v3  }
0x99: {  	s13 =	sadd.s32 $0x400, s13;
	s10 =	sadd.s32 $0x1, s10;
	[tilespmem:s18+$0xFFFFFFF0] =	vst v63  }
0x9a: {  	v3 =	vld [tilespmem:$0x40];
	_ =	sdelay $0x4  }
0x9b: {  	v4 =	vshll.u32 v3, $0x3  }
0x9c: {  	v3 =	vand.u32 $0x7, v3;
	v4 =	vand.u32 $0xFFFFFFC0, v4  }
0x9d: {  	v3 =	vor.u32 v3, v4  }
0x9e: {  	v4 =	vperm.xlane v3, v0;
	_ =	sdelay $0x1  }
0x9f: {  	v4 =	vadd.s32 v1, v4;
	_ =	sdelay $0x3  }
0xa0: {  	s10 =	simm.s32 $0x0  }
0xa1: {  	[tilespmem:s30], [sflag:$0x3] =	stream.indirect_vreg.gather [hbm4b:s1+s10], $0x80, v4, vm0, $0xb8;
	[tilespmem:$0x18100] =	vst v63  }
0xa2: {  	s13 =	simm.s32 $0x10900;
	v3 =	vperm.xlane v3, v2  }
0xa3: {  	[tilespmem:s13], [sflag:$0x3] =	stream.indirect_vreg.gather [hbm4b:s6+s10], $0x80, v4, vm0, $0xb8;
	[tilespmem:$0x18100] =	vst v63  }
0xa4: {  	s16 =	simm.s32 $0x11100;
	v3 =	vadd.s32 v1, v3  }
0xa5: {  	[tilespmem:s16], [sflag:$0x3] =	stream.indirect_vreg.gather [hbm4b:s7+s10], $0x80, v4, vm0, $0xb8;
	[tilespmem:$0x18100] =	vst v63  }
0xa6: {  	s18 =	simm.s32 $0x11900  }
0xa7: {  	[tilespmem:s18], [sflag:$0x3] =	stream.indirect_vreg.gather [hbm4b:s9+s10], $0x80, v4, vm0, $0xb8;
	[tilespmem:$0x18100] =	vst v63  }
0xa8: {  	s19 =	simm.s32 $0x12100  }
0xa9: {  	[tilespmem:s19], [sflag:$0x3] =	stream.indirect_vreg.gather [hbm4b:s1+s10], $0x80, v3, vm0, $0xb8;
	[tilespmem:$0x18100] =	vst v63  }
0xaa: {  	s20 =	simm.s32 $0x12900  }
0xab: {  	[tilespmem:s20], [sflag:$0x3] =	stream.indirect_vreg.gather [hbm4b:s6+s10], $0x80, v3, vm0, $0xb8;
	[tilespmem:$0x18100] =	vst v63  }
0xac: {  	s21 =	simm.s32 $0x13100  }
0xad: {  	[tilespmem:s21], [sflag:$0x3] =	stream.indirect_vreg.gather [hbm4b:s7+s10], $0x80, v3, vm0, $0xb8;
	[tilespmem:$0x18100] =	vst v63  }
0xae: {  	s22 =	simm.s32 $0x13900  }
0xaf: {  	[tilespmem:s22], [sflag:$0x3] =	stream.indirect_vreg.gather [hbm4b:s9+s10], $0x80, v3, vm0, $0xb8;
	[tilespmem:$0x18100] =	vst v63  }
0xb0: {  	v3 =	vld [tilespmem:$0x50];
	_ =	sdelay $0x4  }
0xb1: {  	v63 =	vshll.u32 v3, $0x3  }
0xb2: {  	v3 =	vand.u32 $0x7, v3;
	v4 =	vand.u32 $0xFFFFFFC0, v63  }
0xb3: {  	v3 =	vor.u32 v3, v4  }
0xb4: {  	v4 =	vperm.xlane v3, v0;
	_ =	sdelay $0x1  }
0xb5: {  	v4 =	vadd.s32 v1, v4;
	_ =	sdelay $0x3  }
0xb6: {  	s23 =	simm.s32 $0x14100  }
0xb7: {  	[tilespmem:s23], [sflag:$0x3] =	stream.indirect_vreg.gather [hbm4b:s1+s10], $0x80, v4, vm0, $0xb8;
	[tilespmem:$0x18100] =	vst v63  }
0xb8: {  	s16 =	simm.s32 $0x14900;
	v3 =	vperm.xlane v3, v2  }
0xb9: {  	[tilespmem:s16], [sflag:$0x3] =	stream.indirect_vreg.gather [hbm4b:s6+s10], $0x80, v4, vm0, $0xb8;
	[tilespmem:$0x18100] =	vst v63  }
0xba: {  	s18 =	simm.s32 $0x15100;
	v3 =	vadd.s32 v1, v3  }
0xbb: {  	[tilespmem:s18], [sflag:$0x3] =	stream.indirect_vreg.gather [hbm4b:s7+s10], $0x80, v4, vm0, $0xb8;
	[tilespmem:$0x18100] =	vst v63  }
0xbc: {  	s19 =	simm.s32 $0x15900  }
0xbd: {  	[tilespmem:s19], [sflag:$0x3] =	stream.indirect_vreg.gather [hbm4b:s9+s10], $0x80, v4, vm0, $0xb8;
	[tilespmem:$0x18100] =	vst v63  }
0xbe: {  	s20 =	simm.s32 $0x16100  }
0xbf: {  	[tilespmem:s20], [sflag:$0x3] =	stream.indirect_vreg.gather [hbm4b:s1+s10], $0x80, v3, vm0, $0xb8;
	[tilespmem:$0x18100] =	vst v63  }
0xc0: {  	s21 =	simm.s32 $0x16900  }
0xc1: {  	[tilespmem:s21], [sflag:$0x3] =	stream.indirect_vreg.gather [hbm4b:s6+s10], $0x80, v3, vm0, $0xb8;
	[tilespmem:$0x18100] =	vst v63  }
0xc2: {  	s22 =	simm.s32 $0x17100  }
0xc3: {  	[tilespmem:s22], [sflag:$0x3] =	stream.indirect_vreg.gather [hbm4b:s7+s10], $0x80, v3, vm0, $0xb8;
	[tilespmem:$0x18100] =	vst v63  }
0xc4: {  	s23 =	simm.s32 $0x17900  }
0xc5: {  	[tilespmem:s23], [sflag:$0x3] =	stream.indirect_vreg.gather [hbm4b:s9+s10], $0x80, v3, vm0, $0xb8;
	[tilespmem:$0x18100] =	vst v63  }
0xc6: {  	_ = 	snop  }
0xc7: {  	[hbm4b:s8+s10] =	stream.linear.scatter [tilespmem:s17], [sflag:$0x4], $0x8000, $0x38;
	[tilespmem:$0x18100] =	vst v63  }
0xc8: {  	_ =	swait.ge [sflag:s31], $0x8000  }
0xc9: {  	[sflag:s31] =	ssyncset.done $0x0  }
0xca: {  	s13 =	simm.s32 $0x0;
	s16 =	simm.s32 $0x0;
	[sflag:s31] =	ssyncadd.s32 $0xFFFF8000  }
.LBB2_6:
0xcb: {  	s18 =	sshll.u32 s13, $0x2;
	s19 =	sand.u32 $0x7, s10  }
0xcc: {  	s18 =	sand.u32 $0xFFFF8000, s18;
	s19 =	sshll.u32 s19, $0x9  }
0xcd: {  	s18 =	sor.u32 s19, s18  }
0xce: {  	s18 =	sshrl.u32 s18, $0x2  }
0xcf: {  	s18 =	sadd.s32 $0x8140, s18  }
0xd0: {  	v4 =	vld [tilespmem:s18+$0xFFFFFFC0];
	_ =	sdelay $0x1  }
0xd1: {  	v7 =	vld [tilespmem:s18+$0xFFFFFFD0]  }
0xd2: {  	v9 =	vld [tilespmem:s18+$0xFFFFFFE0]  }
0xd3: {  	v5 =	vld [tilespmem:s18+$0x0]  }
0xd4: {  	v3 =	vld [tilespmem:s18+$0x10];
	v8 =	vmul.f32 $3.200000000e+01, v4  }
0xd5: {  	v6 =	vld [tilespmem:s18+$0x20]  }
0xd6: {  	v4 =	vld [tilespmem:s18+$0x30];
	[tilespmem:s18+$0xFFFFFFC0] =	vst v8;
	v8 =	vmul.f32 $3.200000000e+01, v7  }
0xd7: {  	s19 =	simm.s32 $0x0;
	s20 =	sadd.s32 $0x400, s18;
	v9 =	vmul.f32 $3.200000000e+01, v9;
	v7 =	vld [tilespmem:s18+$0xFFFFFFF0]  }
.LBB2_7:
0xd8: {  	v10 =	vld [tilespmem:s20+$0xFFFFFFC0];
	[tilespmem:s18+$0xFFFFFFD0] =	vst v8;
	v5 =	vmul.f32 $3.200000000e+01, v5  }
0xd9: {  	s19 =	sadd.s32 $0x8, s19;
	v8 =	vld [tilespmem:s20+$0xFFFFFFD0];
	[tilespmem:s18+$0xFFFFFFE0] =	vst v9;
	v3 =	vmul.f32 $3.200000000e+01, v3  }
0xda: {  	p0 =	slt.u32 s19, $0x38;
	v9 =	vld [tilespmem:s20+$0xFFFFFFE0];
	[tilespmem:s18+$0x0] =	vst v5;
	v6 =	vmul.f32 $3.200000000e+01, v6  }
.Ltmp4:
0xdb: {  	v5 =	vld [tilespmem:s20+$0x0];
	[tilespmem:s18+$0x10] =	vst v3;
	v4 =	vmul.f32 $3.200000000e+01, v4;
	(pc) =	sbr.rel @p0 .LBB2_7-.Ltmp4, $4  }
0xdc: {  	v3 =	vld [tilespmem:s20+$0x10];
	v7 =	vmul.f32 $3.200000000e+01, v7;
	[tilespmem:s18+$0x20] =	vst v6  }
0xdd: {  	v10 =	vmul.f32 $3.200000000e+01, v10;
	v6 =	vld [tilespmem:s20+$0x20];
	[tilespmem:s18+$0x30] =	vst v4  }
0xde: {  	v8 =	vmul.f32 $3.200000000e+01, v8;
	v4 =	vld [tilespmem:s20+$0x30];
	[tilespmem:s18+$0xFFFFFFF0] =	vst v7;
	s18 =	smov.u32 s20  }
0xdf: {  	s20 =	sadd.s32 $0x400, s20;
	[tilespmem:s18+$0xFFFFFFC0] =	vst v10;
	v9 =	vmul.f32 $3.200000000e+01, v9;
	v7 =	vld [tilespmem:s18+$0xFFFFFFF0]  }
0xe0: {  	[tilespmem:s18+$0xFFFFFFD0] =	vst v8;
	v5 =	vmul.f32 $3.200000000e+01, v5;
	s16 =	sadd.s32 $0x1, s16  }
0xe1: {  	[tilespmem:s18+$0xFFFFFFE0] =	vst v9;
	v3 =	vmul.f32 $3.200000000e+01, v3;
	p0 =	sne.s32 s16, $0x20  }
.Ltmp5:
0xe2: {  	[tilespmem:s18+$0x0] =	vst v5;
	v62 =	vmul.f32 $3.200000000e+01, v6;
	(pc) =	sbr.rel @p0 .LBB2_6-.Ltmp5, $4  }
0xe3: {  	[tilespmem:s18+$0x10] =	vst v3;
	v3 =	vmul.f32 $3.200000000e+01, v4  }
0xe4: {  	v63 =	vmul.f32 $3.200000000e+01, v7;
	[tilespmem:s18+$0x20] =	vst v62  }
0xe5: {  	[tilespmem:s18+$0x30] =	vst v3  }
0xe6: {  	s13 =	sadd.s32 $0x400, s13;
	s10 =	sadd.s32 $0x1, s10;
	[tilespmem:s18+$0xFFFFFFF0] =	vst v63  }
0xe7: {  	_ =	swait.ge [sflag:s0], $0x8000  }
0xe8: {  	[sflag:s0] =	ssyncset.done $0x0  }
0xe9: {  	[sflag:s0] =	ssyncadd.s32 $0xFFFF8000  }
0xea: {  	v3 =	vld [tilespmem:$0x60];
	_ =	sdelay $0x4  }
0xeb: {  	v4 =	vshll.u32 v3, $0x3  }
0xec: {  	v3 =	vand.u32 $0x7, v3;
	v4 =	vand.u32 $0xFFFFFFC0, v4  }
0xed: {  	v3 =	vor.u32 v3, v4  }
0xee: {  	v4 =	vperm.xlane v3, v0;
	_ =	sdelay $0x1  }
0xef: {  	v4 =	vadd.s32 v1, v4;
	_ =	sdelay $0x3  }
0xf0: {  	s13 =	simm.s32 $0x0  }
0xf1: {  	[tilespmem:s17], [sflag:$0x1] =	stream.indirect_vreg.gather [hbm4b:s1+s13], $0x80, v4, vm0, $0xb8;
	[tilespmem:$0x18100] =	vst v63  }
0xf2: {  	s10 =	simm.s32 $0x900;
	v3 =	vperm.xlane v3, v2  }
0xf3: {  	[tilespmem:s10], [sflag:$0x1] =	stream.indirect_vreg.gather [hbm4b:s6+s13], $0x80, v4, vm0, $0xb8;
	[tilespmem:$0x18100] =	vst v63  }
0xf4: {  	s16 =	simm.s32 $0x1100;
	v3 =	vadd.s32 v1, v3  }
0xf5: {  	[tilespmem:s16], [sflag:$0x1] =	stream.indirect_vreg.gather [hbm4b:s7+s13], $0x80, v4, vm0, $0xb8;
	[tilespmem:$0x18100] =	vst v63  }
0xf6: {  	s18 =	simm.s32 $0x1900  }
0xf7: {  	[tilespmem:s18], [sflag:$0x1] =	stream.indirect_vreg.gather [hbm4b:s9+s13], $0x80, v4, vm0, $0xb8;
	[tilespmem:$0x18100] =	vst v63  }
0xf8: {  	s19 =	simm.s32 $0x2100  }
0xf9: {  	[tilespmem:s19], [sflag:$0x1] =	stream.indirect_vreg.gather [hbm4b:s1+s13], $0x80, v3, vm0, $0xb8;
	[tilespmem:$0x18100] =	vst v63  }
0xfa: {  	s20 =	simm.s32 $0x2900  }
0xfb: {  	[tilespmem:s20], [sflag:$0x1] =	stream.indirect_vreg.gather [hbm4b:s6+s13], $0x80, v3, vm0, $0xb8;
	[tilespmem:$0x18100] =	vst v63  }
0xfc: {  	s21 =	simm.s32 $0x3100  }
0xfd: {  	[tilespmem:s21], [sflag:$0x1] =	stream.indirect_vreg.gather [hbm4b:s7+s13], $0x80, v3, vm0, $0xb8;
	[tilespmem:$0x18100] =	vst v63  }
0xfe: {  	s22 =	simm.s32 $0x3900  }
0xff: {  	[tilespmem:s22], [sflag:$0x1] =	stream.indirect_vreg.gather [hbm4b:s9+s13], $0x80, v3, vm0, $0xb8;
	[tilespmem:$0x18100] =	vst v63  }
0x100: {  	v3 =	vld [tilespmem:$0x70];
	_ =	sdelay $0x4  }
0x101: {  	v63 =	vshll.u32 v3, $0x3  }
0x102: {  	v3 =	vand.u32 $0x7, v3;
	v4 =	vand.u32 $0xFFFFFFC0, v63  }
0x103: {  	v3 =	vor.u32 v3, v4  }
0x104: {  	v4 =	vperm.xlane v3, v0;
	_ =	sdelay $0x1  }
0x105: {  	v4 =	vadd.s32 v1, v4;
	_ =	sdelay $0x3  }
0x106: {  	s23 =	simm.s32 $0x4100  }
0x107: {  	[tilespmem:s23], [sflag:$0x1] =	stream.indirect_vreg.gather [hbm4b:s1+s13], $0x80, v4, vm0, $0xb8;
	[tilespmem:$0x18100] =	vst v63  }
0x108: {  	s16 =	simm.s32 $0x4900;
	v3 =	vperm.xlane v3, v2  }
0x109: {  	[tilespmem:s16], [sflag:$0x1] =	stream.indirect_vreg.gather [hbm4b:s6+s13], $0x80, v4, vm0, $0xb8;
	[tilespmem:$0x18100] =	vst v63  }
0x10a: {  	s18 =	simm.s32 $0x5100;
	v3 =	vadd.s32 v1, v3  }
0x10b: {  	[tilespmem:s18], [sflag:$0x1] =	stream.indirect_vreg.gather [hbm4b:s7+s13], $0x80, v4, vm0, $0xb8;
	[tilespmem:$0x18100] =	vst v63  }
0x10c: {  	s19 =	simm.s32 $0x5900  }
0x10d: {  	[tilespmem:s19], [sflag:$0x1] =	stream.indirect_vreg.gather [hbm4b:s9+s13], $0x80, v4, vm0, $0xb8;
	[tilespmem:$0x18100] =	vst v63  }
0x10e: {  	s20 =	simm.s32 $0x6100  }
0x10f: {  	[tilespmem:s20], [sflag:$0x1] =	stream.indirect_vreg.gather [hbm4b:s1+s13], $0x80, v3, vm0, $0xb8;
	[tilespmem:$0x18100] =	vst v63  }
0x110: {  	s21 =	simm.s32 $0x6900  }
0x111: {  	[tilespmem:s21], [sflag:$0x1] =	stream.indirect_vreg.gather [hbm4b:s6+s13], $0x80, v3, vm0, $0xb8;
	[tilespmem:$0x18100] =	vst v63  }
0x112: {  	p0 =	por $0x1, $0x1;
	s22 =	simm.s32 $0x7100  }
0x113: {  	[tilespmem:s22], [sflag:$0x1] =	stream.indirect_vreg.gather [hbm4b:s7+s13], $0x80, v3, vm0, $0xb8;
	[tilespmem:$0x18100] =	vst v63  }
0x114: {  	s10 =	rddreg [dreg:$0x5];
	s23 =	simm.s32 $0x7900;
	s16 =	simm.s32 $0x0  }
0x115: {  	[tilespmem:s23], [sflag:$0x1] =	stream.indirect_vreg.gather [hbm4b:s9+s13], $0x80, v3, vm0, $0xb8;
	[tilespmem:$0x18100] =	vst v63  }
.LBB2_10:
0x116: {  	[hbm4b:s10+s13] =	stream.linear.scatter [tilespmem:s14], [sflag:$0x5], $0x8000, $0x38;
	[tilespmem:$0x18100] =	vst v63  }
0x117: {  	_ =	swait.ge [sflag:s3], $0x8000  }
0x118: {  	s10 =	simm.s32 $0x0;
	[sflag:s3] =	ssyncset.done $0x0  }
0x119: {  	s18 =	simm.s32 $0x0;
	s19 =	simm.s32 $0x0;
	[sflag:s3] =	ssyncadd.s32 $0xFFFF8000  }
.LBB2_11:
0x11a: {  	s20 =	sshll.u32 s18, $0x2;
	s21 =	sand.u32 $0x7, s10  }
0x11b: {  	s20 =	sand.u32 $0xFFFF8000, s20;
	s21 =	sshll.u32 s21, $0x9  }
0x11c: {  	s20 =	sor.u32 s21, s20  }
0x11d: {  	s20 =	sshrl.u32 s20, $0x2  }
0x11e: {  	s20 =	sadd.s32 $0x10140, s20  }
0x11f: {  	v4 =	vld [tilespmem:s20+$0xFFFFFFC0];
	_ =	sdelay $0x1  }
0x120: {  	v7 =	vld [tilespmem:s20+$0xFFFFFFD0]  }
0x121: {  	v9 =	vld [tilespmem:s20+$0xFFFFFFE0]  }
0x122: {  	v5 =	vld [tilespmem:s20+$0x0]  }
0x123: {  	v3 =	vld [tilespmem:s20+$0x10];
	v8 =	vmul.f32 $3.200000000e+01, v4  }
0x124: {  	v6 =	vld [tilespmem:s20+$0x20]  }
0x125: {  	v4 =	vld [tilespmem:s20+$0x30];
	[tilespmem:s20+$0xFFFFFFC0] =	vst v8;
	v8 =	vmul.f32 $3.200000000e+01, v7  }
0x126: {  	s21 =	simm.s32 $0x0;
	s22 =	sadd.s32 $0x400, s20;
	v9 =	vmul.f32 $3.200000000e+01, v9;
	v7 =	vld [tilespmem:s20+$0xFFFFFFF0]  }
.LBB2_12:
0x127: {  	v10 =	vld [tilespmem:s22+$0xFFFFFFC0];
	[tilespmem:s20+$0xFFFFFFD0] =	vst v8;
	v5 =	vmul.f32 $3.200000000e+01, v5  }
0x128: {  	s21 =	sadd.s32 $0x8, s21;
	v8 =	vld [tilespmem:s22+$0xFFFFFFD0];
	[tilespmem:s20+$0xFFFFFFE0] =	vst v9;
	v3 =	vmul.f32 $3.200000000e+01, v3  }
0x129: {  	p1 =	slt.u32 s21, $0x38;
	v9 =	vld [tilespmem:s22+$0xFFFFFFE0];
	[tilespmem:s20+$0x0] =	vst v5;
	v6 =	vmul.f32 $3.200000000e+01, v6  }
.Ltmp6:
0x12a: {  	v5 =	vld [tilespmem:s22+$0x0];
	[tilespmem:s20+$0x10] =	vst v3;
	v4 =	vmul.f32 $3.200000000e+01, v4;
	(pc) =	sbr.rel @p1 .LBB2_12-.Ltmp6, $4  }
0x12b: {  	v3 =	vld [tilespmem:s22+$0x10];
	v7 =	vmul.f32 $3.200000000e+01, v7;
	[tilespmem:s20+$0x20] =	vst v6  }
0x12c: {  	v10 =	vmul.f32 $3.200000000e+01, v10;
	v6 =	vld [tilespmem:s22+$0x20];
	[tilespmem:s20+$0x30] =	vst v4  }
0x12d: {  	v8 =	vmul.f32 $3.200000000e+01, v8;
	v4 =	vld [tilespmem:s22+$0x30];
	[tilespmem:s20+$0xFFFFFFF0] =	vst v7;
	s20 =	smov.u32 s22  }
0x12e: {  	s22 =	sadd.s32 $0x400, s22;
	[tilespmem:s20+$0xFFFFFFC0] =	vst v10;
	v9 =	vmul.f32 $3.200000000e+01, v9;
	v7 =	vld [tilespmem:s20+$0xFFFFFFF0]  }
0x12f: {  	[tilespmem:s20+$0xFFFFFFD0] =	vst v8;
	v5 =	vmul.f32 $3.200000000e+01, v5;
	s19 =	sadd.s32 $0x1, s19  }
0x130: {  	[tilespmem:s20+$0xFFFFFFE0] =	vst v9;
	v3 =	vmul.f32 $3.200000000e+01, v3;
	p1 =	sne.s32 s19, $0x20  }
.Ltmp7:
0x131: {  	[tilespmem:s20+$0x0] =	vst v5;
	v62 =	vmul.f32 $3.200000000e+01, v6;
	(pc) =	sbr.rel @p1 .LBB2_11-.Ltmp7, $4  }
0x132: {  	[tilespmem:s20+$0x10] =	vst v3;
	v3 =	vmul.f32 $3.200000000e+01, v4  }
0x133: {  	v63 =	vmul.f32 $3.200000000e+01, v7;
	[tilespmem:s20+$0x20] =	vst v62  }
0x134: {  	[tilespmem:s20+$0x30] =	vst v3  }
0x135: {  	s18 =	sadd.s32 $0x400, s18;
	s10 =	sadd.s32 $0x1, s10;
	[tilespmem:s20+$0xFFFFFFF0] =	vst v63  }
0x136: {  	s10 =	smul.u32 $0x3, s16;
	_ =	sdelay $0x1  }
0x137: {  	_ =	swait.ge [sflag:s15], $0x8000;
	s10 =	sor.u32 $0x4, s10  }
0x138: {  	[sflag:s15] =	ssyncset.done $0x0;
	s18 =	sshll.u32 s10, $0x5  }
0x139: {  	[sflag:s15] =	ssyncadd.s32 $0xFFFF8000;
	s19 =	sand.u32 $0x3FFFFFE0, s18  }
0x13a: {  	v3 =	vld [tilespmem:s19+$0x0];
	_ =	sdelay $0x4  }
0x13b: {  	v4 =	vshll.u32 v3, $0x3  }
0x13c: {  	v3 =	vand.u32 $0x7, v3;
	v4 =	vand.u32 $0xFFFFFFC0, v4  }
0x13d: {  	v3 =	vor.u32 v3, v4  }
0x13e: {  	v4 =	vperm.xlane v3, v0;
	_ =	sdelay $0x1  }
0x13f: {  	v4 =	vadd.s32 v1, v4;
	_ =	sdelay $0x3  }
0x140: {  	s18 =	simm.s32 $0x0  }
0x141: {  	[tilespmem:s14], [sflag:$0x2] =	stream.indirect_vreg.gather [hbm4b:s1+s18], $0x80, v4, vm0, $0xb8;
	[tilespmem:$0x18100] =	vst v63  }
0x142: {  	s20 =	simm.s32 $0x8900;
	v3 =	vperm.xlane v3, v2  }
0x143: {  	[tilespmem:s20], [sflag:$0x2] =	stream.indirect_vreg.gather [hbm4b:s6+s18], $0x80, v4, vm0, $0xb8;
	[tilespmem:$0x18100] =	vst v63  }
0x144: {  	s23 =	simm.s32 $0x9100;
	v3 =	vadd.s32 v1, v3  }
0x145: {  	[tilespmem:s23], [sflag:$0x2] =	stream.indirect_vreg.gather [hbm4b:s7+s18], $0x80, v4, vm0, $0xb8;
	[tilespmem:$0x18100] =	vst v63  }
0x146: {  	s21 =	simm.s32 $0x9900  }
0x147: {  	[tilespmem:s21], [sflag:$0x2] =	stream.indirect_vreg.gather [hbm4b:s9+s18], $0x80, v4, vm0, $0xb8;
	[tilespmem:$0x18100] =	vst v63  }
0x148: {  	s22 =	simm.s32 $0xA100  }
0x149: {  	[tilespmem:s22], [sflag:$0x2] =	stream.indirect_vreg.gather [hbm4b:s1+s18], $0x80, v3, vm0, $0xb8;
	[tilespmem:$0x18100] =	vst v63  }
0x14a: {  	s23 =	simm.s32 $0xA900  }
0x14b: {  	[tilespmem:s23], [sflag:$0x2] =	stream.indirect_vreg.gather [hbm4b:s6+s18], $0x80, v3, vm0, $0xb8;
	[tilespmem:$0x18100] =	vst v63  }
0x14c: {  	s21 =	simm.s32 $0xB100  }
0x14d: {  	[tilespmem:s21], [sflag:$0x2] =	stream.indirect_vreg.gather [hbm4b:s7+s18], $0x80, v3, vm0, $0xb8;
	[tilespmem:$0x18100] =	vst v63  }
0x14e: {  	s22 =	simm.s32 $0xB900  }
0x14f: {  	[tilespmem:s22], [sflag:$0x2] =	stream.indirect_vreg.gather [hbm4b:s9+s18], $0x80, v3, vm0, $0xb8;
	[tilespmem:$0x18100] =	vst v63  }
0x150: {  	v3 =	vld [tilespmem:s19+$0x10];
	_ =	sdelay $0x4  }
0x151: {  	v63 =	vshll.u32 v3, $0x3  }
0x152: {  	v3 =	vand.u32 $0x7, v3;
	v4 =	vand.u32 $0xFFFFFFC0, v63  }
0x153: {  	v3 =	vor.u32 v3, v4  }
0x154: {  	v4 =	vperm.xlane v3, v0;
	_ =	sdelay $0x1  }
0x155: {  	v4 =	vadd.s32 v1, v4;
	_ =	sdelay $0x3  }
0x156: {  	s23 =	simm.s32 $0xC100  }
0x157: {  	[tilespmem:s23], [sflag:$0x2] =	stream.indirect_vreg.gather [hbm4b:s1+s18], $0x80, v4, vm0, $0xb8;
	[tilespmem:$0x18100] =	vst v63  }
0x158: {  	s20 =	simm.s32 $0xC900;
	v3 =	vperm.xlane v3, v2  }
0x159: {  	[tilespmem:s20], [sflag:$0x2] =	stream.indirect_vreg.gather [hbm4b:s6+s18], $0x80, v4, vm0, $0xb8;
	[tilespmem:$0x18100] =	vst v63  }
0x15a: {  	s21 =	simm.s32 $0xD100;
	v3 =	vadd.s32 v1, v3  }
0x15b: {  	[tilespmem:s21], [sflag:$0x2] =	stream.indirect_vreg.gather [hbm4b:s7+s18], $0x80, v4, vm0, $0xb8;
	[tilespmem:$0x18100] =	vst v63  }
0x15c: {  	s22 =	simm.s32 $0xD900  }
0x15d: {  	[tilespmem:s22], [sflag:$0x2] =	stream.indirect_vreg.gather [hbm4b:s9+s18], $0x80, v4, vm0, $0xb8;
	[tilespmem:$0x18100] =	vst v63  }
0x15e: {  	_ = 	snop  }
0x15f: {  	[tilespmem:s24], [sflag:$0x2] =	stream.indirect_vreg.gather [hbm4b:s1+s18], $0x80, v3, vm0, $0xb8;
	[tilespmem:$0x18100] =	vst v63  }
0x160: {  	s16 =	smul.u32 $0x60, s16  }
0x161: {  	[tilespmem:s25], [sflag:$0x2] =	stream.indirect_vreg.gather [hbm4b:s6+s18], $0x80, v3, vm0, $0xb8;
	[tilespmem:$0x18100] =	vst v63  }
0x162: {  	s23 =	sadd.s32 s11, s16  }
0x163: {  	[tilespmem:s26], [sflag:$0x2] =	stream.indirect_vreg.gather [hbm4b:s7+s18], $0x80, v3, vm0, $0xb8;
	[tilespmem:$0x18100] =	vst v63  }
0x164: {  	s19 =	sshll.u32 s23, $0x7  }
0x165: {  	[tilespmem:s28], [sflag:$0x2] =	stream.indirect_vreg.gather [hbm4b:s9+s18], $0x80, v3, vm0, $0xb8;
	[tilespmem:$0x18100] =	vst v63  }
0x166: {  	s19 =	sadd.s32 s2, s19  }
0x167: {  	[hbm4b:s19+s18] =	stream.linear.scatter [tilespmem:s30], [sflag:$0x6], $0x8000, $0x38;
	[tilespmem:$0x18100] =	vst v63  }
0x168: {  	_ =	swait.ge [sflag:s29], $0x8000  }
0x169: {  	[sflag:s29] =	ssyncset.done $0x0  }
0x16a: {  	s20 =	simm.s32 $0x0;
	s19 =	simm.s32 $0x0;
	[sflag:s29] =	ssyncadd.s32 $0xFFFF8000  }
.LBB2_15:
0x16b: {  	s21 =	sshll.u32 s19, $0x2;
	s22 =	sand.u32 $0x7, s18  }
0x16c: {  	s21 =	sand.u32 $0xFFFF8000, s21;
	s22 =	sshll.u32 s22, $0x9  }
0x16d: {  	s21 =	sor.u32 s22, s21  }
0x16e: {  	s21 =	sshrl.u32 s21, $0x2  }
0x16f: {  	s21 =	sadd.s32 $0x140, s21  }
0x170: {  	v4 =	vld [tilespmem:s21+$0xFFFFFFC0];
	_ =	sdelay $0x1  }
0x171: {  	v7 =	vld [tilespmem:s21+$0xFFFFFFD0]  }
0x172: {  	v9 =	vld [tilespmem:s21+$0xFFFFFFE0]  }
0x173: {  	v5 =	vld [tilespmem:s21+$0x0]  }
0x174: {  	v3 =	vld [tilespmem:s21+$0x10];
	v8 =	vmul.f32 $3.200000000e+01, v4  }
0x175: {  	v6 =	vld [tilespmem:s21+$0x20]  }
0x176: {  	v4 =	vld [tilespmem:s21+$0x30];
	[tilespmem:s21+$0xFFFFFFC0] =	vst v8;
	v8 =	vmul.f32 $3.200000000e+01, v7  }
0x177: {  	s22 =	simm.s32 $0x0;
	s23 =	sadd.s32 $0x400, s21;
	v9 =	vmul.f32 $3.200000000e+01, v9;
	v7 =	vld [tilespmem:s21+$0xFFFFFFF0]  }
.LBB2_16:
0x178: {  	v10 =	vld [tilespmem:s23+$0xFFFFFFC0];
	[tilespmem:s21+$0xFFFFFFD0] =	vst v8;
	v5 =	vmul.f32 $3.200000000e+01, v5  }
0x179: {  	s22 =	sadd.s32 $0x8, s22;
	v8 =	vld [tilespmem:s23+$0xFFFFFFD0];
	[tilespmem:s21+$0xFFFFFFE0] =	vst v9;
	v3 =	vmul.f32 $3.200000000e+01, v3  }
0x17a: {  	p1 =	slt.u32 s22, $0x38;
	v9 =	vld [tilespmem:s23+$0xFFFFFFE0];
	[tilespmem:s21+$0x0] =	vst v5;
	v6 =	vmul.f32 $3.200000000e+01, v6  }
.Ltmp8:
0x17b: {  	v5 =	vld [tilespmem:s23+$0x0];
	[tilespmem:s21+$0x10] =	vst v3;
	v4 =	vmul.f32 $3.200000000e+01, v4;
	(pc) =	sbr.rel @p1 .LBB2_16-.Ltmp8, $4  }
0x17c: {  	v3 =	vld [tilespmem:s23+$0x10];
	v7 =	vmul.f32 $3.200000000e+01, v7;
	[tilespmem:s21+$0x20] =	vst v6  }
0x17d: {  	v10 =	vmul.f32 $3.200000000e+01, v10;
	v6 =	vld [tilespmem:s23+$0x20];
	[tilespmem:s21+$0x30] =	vst v4  }
0x17e: {  	v8 =	vmul.f32 $3.200000000e+01, v8;
	v4 =	vld [tilespmem:s23+$0x30];
	[tilespmem:s21+$0xFFFFFFF0] =	vst v7;
	s21 =	smov.u32 s23  }
0x17f: {  	s23 =	sadd.s32 $0x400, s23;
	[tilespmem:s21+$0xFFFFFFC0] =	vst v10;
	v9 =	vmul.f32 $3.200000000e+01, v9;
	v7 =	vld [tilespmem:s21+$0xFFFFFFF0]  }
0x180: {  	[tilespmem:s21+$0xFFFFFFD0] =	vst v8;
	v5 =	vmul.f32 $3.200000000e+01, v5;
	s20 =	sadd.s32 $0x1, s20  }
0x181: {  	[tilespmem:s21+$0xFFFFFFE0] =	vst v9;
	v3 =	vmul.f32 $3.200000000e+01, v3;
	p1 =	sne.s32 s20, $0x20  }
.Ltmp9:
0x182: {  	[tilespmem:s21+$0x0] =	vst v5;
	v62 =	vmul.f32 $3.200000000e+01, v6;
	(pc) =	sbr.rel @p1 .LBB2_15-.Ltmp9, $4  }
0x183: {  	[tilespmem:s21+$0x10] =	vst v3;
	v3 =	vmul.f32 $3.200000000e+01, v4  }
0x184: {  	v63 =	vmul.f32 $3.200000000e+01, v7;
	[tilespmem:s21+$0x20] =	vst v62  }
0x185: {  	[tilespmem:s21+$0x30] =	vst v3  }
0x186: {  	s19 =	sadd.s32 $0x400, s19;
	s18 =	sadd.s32 $0x1, s18;
	[tilespmem:s21+$0xFFFFFFF0] =	vst v63  }
0x187: {  	_ =	swait.ge [sflag:s5], $0x8000  }
0x188: {  	[sflag:s5] =	ssyncset.done $0x0  }
0x189: {  	[sflag:s5] =	ssyncadd.s32 $0xFFFF8000  }
0x18a: {  	v3 =	vld @p0 [tilespmem:$0xA0];
	_ =	sdelay $0x4  }
0x18b: {  	v4 =	vshll.u32 @p0 v3, $0x3  }
0x18c: {  	v5 =	vlaneseq.u32 @p0;
	v3 =	vand.u32 @p0 $0x7, v3;
	v4 =	vand.u32 @p0 $0xFFFFFFC0, v4  }
0x18d: {  	v6 =	vshrl.u32 @p0 v5, $0x3;
	v3 =	vor.u32 @p0 v3, v4;
	v4 =	vand.u32 @p0 $0x7, v5  }
0x18e: {  	v6 =	vmul.u32 @p0 $0x8, v6;
	v7 =	vperm.xlane @p0 v3, v4;
	_ =	sdelay $0x1  }
0x18f: {  	v7 =	vadd.s32 @p0 v6, v7;
	_ =	sdelay $0x3  }
0x190: {  	vm1 =	vmmov @p0 $0xffff;
	s18 =	simm.s32 @p0 $0x0;
	s19 =	simm.s32 @p0 $0x10100  }
0x191: {  	v5 =	vor.u32 @p0 $0x8, v5;
	[tilespmem:s19], [sflag:$0x3] =	stream.indirect_vreg.gather @p0 [hbm4b:s1+s18], $0x80, v7, vm1, $0xb8;
	[tilespmem:$0x18100] =	vst v63  }
0x192: {  	v3 =	vperm.xlane @p0 v3, v5;
	s19 =	simm.s32 @p0 $0x10900  }
0x193: {  	[tilespmem:s19], [sflag:$0x3] =	stream.indirect_vreg.gather @p0 [hbm4b:s6+s18], $0x80, v7, vm1, $0xb8;
	[tilespmem:$0x18100] =	vst v63  }
0x194: {  	v3 =	vadd.s32 @p0 v6, v3;
	s19 =	simm.s32 @p0 $0x11100  }
0x195: {  	[tilespmem:s19], [sflag:$0x3] =	stream.indirect_vreg.gather @p0 [hbm4b:s7+s18], $0x80, v7, vm1, $0xb8;
	[tilespmem:$0x18100] =	vst v63  }
0x196: {  	s19 =	simm.s32 @p0 $0x11900  }
0x197: {  	[tilespmem:s19], [sflag:$0x3] =	stream.indirect_vreg.gather @p0 [hbm4b:s9+s18], $0x80, v7, vm1, $0xb8;
	[tilespmem:$0x18100] =	vst v63  }
0x198: {  	s19 =	simm.s32 @p0 $0x12100  }
0x199: {  	[tilespmem:s19], [sflag:$0x3] =	stream.indirect_vreg.gather @p0 [hbm4b:s1+s18], $0x80, v3, vm1, $0xb8;
	[tilespmem:$0x18100] =	vst v63  }
0x19a: {  	s19 =	simm.s32 @p0 $0x12900  }
0x19b: {  	[tilespmem:s19], [sflag:$0x3] =	stream.indirect_vreg.gather @p0 [hbm4b:s6+s18], $0x80, v3, vm1, $0xb8;
	[tilespmem:$0x18100] =	vst v63  }
0x19c: {  	s19 =	simm.s32 @p0 $0x13100  }
0x19d: {  	[tilespmem:s19], [sflag:$0x3] =	stream.indirect_vreg.gather @p0 [hbm4b:s7+s18], $0x80, v3, vm1, $0xb8;
	[tilespmem:$0x18100] =	vst v63  }
0x19e: {  	s19 =	simm.s32 @p0 $0x13900  }
0x19f: {  	[tilespmem:s19], [sflag:$0x3] =	stream.indirect_vreg.gather @p0 [hbm4b:s9+s18], $0x80, v3, vm1, $0xb8;
	[tilespmem:$0x18100] =	vst v63  }
0x1a0: {  	v3 =	vld @p0 [tilespmem:$0xB0];
	_ =	sdelay $0x4  }
0x1a1: {  	v7 =	vshll.u32 @p0 v3, $0x3  }
0x1a2: {  	v3 =	vand.u32 @p0 $0x7, v3;
	v7 =	vand.u32 @p0 $0xFFFFFFC0, v7  }
0x1a3: {  	v3 =	vor.u32 @p0 v3, v7  }
0x1a4: {  	v4 =	vperm.xlane @p0 v3, v4;
	_ =	sdelay $0x1  }
0x1a5: {  	v4 =	vadd.s32 @p0 v6, v4;
	_ =	sdelay $0x3  }
0x1a6: {  	s19 =	simm.s32 @p0 $0x14100  }
0x1a7: {  	[tilespmem:s19], [sflag:$0x3] =	stream.indirect_vreg.gather @p0 [hbm4b:s1+s18], $0x80, v4, vm1, $0xb8;
	[tilespmem:$0x18100] =	vst v63  }
0x1a8: {  	v3 =	vperm.xlane @p0 v3, v5;
	s19 =	simm.s32 @p0 $0x14900  }
0x1a9: {  	[tilespmem:s19], [sflag:$0x3] =	stream.indirect_vreg.gather @p0 [hbm4b:s6+s18], $0x80, v4, vm1, $0xb8;
	[tilespmem:$0x18100] =	vst v63  }
0x1aa: {  	v3 =	vadd.s32 @p0 v6, v3;
	s19 =	simm.s32 @p0 $0x15100  }
0x1ab: {  	[tilespmem:s19], [sflag:$0x3] =	stream.indirect_vreg.gather @p0 [hbm4b:s7+s18], $0x80, v4, vm1, $0xb8;
	[tilespmem:$0x18100] =	vst v63  }
0x1ac: {  	s19 =	simm.s32 @p0 $0x15900  }
0x1ad: {  	[tilespmem:s19], [sflag:$0x3] =	stream.indirect_vreg.gather @p0 [hbm4b:s9+s18], $0x80, v4, vm1, $0xb8;
	[tilespmem:$0x18100] =	vst v63  }
0x1ae: {  	s19 =	simm.s32 @p0 $0x16100  }
0x1af: {  	[tilespmem:s19], [sflag:$0x3] =	stream.indirect_vreg.gather @p0 [hbm4b:s1+s18], $0x80, v3, vm1, $0xb8;
	[tilespmem:$0x18100] =	vst v63  }
0x1b0: {  	s19 =	simm.s32 @p0 $0x16900  }
0x1b1: {  	[tilespmem:s19], [sflag:$0x3] =	stream.indirect_vreg.gather @p0 [hbm4b:s6+s18], $0x80, v3, vm1, $0xb8;
	[tilespmem:$0x18100] =	vst v63  }
0x1b2: {  	s16 =	sadd.s32 s12, s16;
	s19 =	simm.s32 @p0 $0x17100  }
0x1b3: {  	[tilespmem:s19], [sflag:$0x3] =	stream.indirect_vreg.gather @p0 [hbm4b:s7+s18], $0x80, v3, vm1, $0xb8;
	[tilespmem:$0x18100] =	vst v63  }
0x1b4: {  	s16 =	sshll.u32 s16, $0x7;
	s19 =	simm.s32 @p0 $0x17900  }
0x1b5: {  	[tilespmem:s19], [sflag:$0x3] =	stream.indirect_vreg.gather @p0 [hbm4b:s9+s18], $0x80, v3, vm1, $0xb8;
	[tilespmem:$0x18100] =	vst v63  }
0x1b6: {  	s23 =	sadd.s32 s2, s16;
	s16 =	simm.s32 $0x0  }
0x1b7: {  	[hbm4b:s23+s16] =	stream.linear.scatter [tilespmem:s17], [sflag:$0x4], $0x8000, $0x38;
	[tilespmem:$0x18100] =	vst v63  }
0x1b8: {  	_ =	swait.ge [sflag:s31], $0x8000  }
0x1b9: {  	[sflag:s31] =	ssyncset.done $0x0  }
0x1ba: {  	s18 =	simm.s32 $0x0;
	s19 =	simm.s32 $0x0;
	[sflag:s31] =	ssyncadd.s32 $0xFFFF8000  }
.LBB2_19:
0x1bb: {  	s20 =	sshll.u32 s18, $0x2;
	s21 =	sand.u32 $0x7, s16  }
0x1bc: {  	s20 =	sand.u32 $0xFFFF8000, s20;
	s21 =	sshll.u32 s21, $0x9  }
0x1bd: {  	s20 =	sor.u32 s21, s20  }
0x1be: {  	s20 =	sshrl.u32 s20, $0x2  }
0x1bf: {  	s20 =	sadd.s32 $0x8140, s20  }
0x1c0: {  	v4 =	vld [tilespmem:s20+$0xFFFFFFC0];
	_ =	sdelay $0x1  }
0x1c1: {  	v7 =	vld [tilespmem:s20+$0xFFFFFFD0]  }
0x1c2: {  	v9 =	vld [tilespmem:s20+$0xFFFFFFE0]  }
0x1c3: {  	v5 =	vld [tilespmem:s20+$0x0]  }
0x1c4: {  	v3 =	vld [tilespmem:s20+$0x10];
	v8 =	vmul.f32 $3.200000000e+01, v4  }
0x1c5: {  	v6 =	vld [tilespmem:s20+$0x20]  }
0x1c6: {  	v4 =	vld [tilespmem:s20+$0x30];
	[tilespmem:s20+$0xFFFFFFC0] =	vst v8;
	v8 =	vmul.f32 $3.200000000e+01, v7  }
0x1c7: {  	s21 =	simm.s32 $0x0;
	s22 =	sadd.s32 $0x400, s20;
	v9 =	vmul.f32 $3.200000000e+01, v9;
	v7 =	vld [tilespmem:s20+$0xFFFFFFF0]  }
.LBB2_20:
0x1c8: {  	v10 =	vld [tilespmem:s22+$0xFFFFFFC0];
	[tilespmem:s20+$0xFFFFFFD0] =	vst v8;
	v5 =	vmul.f32 $3.200000000e+01, v5  }
0x1c9: {  	s21 =	sadd.s32 $0x8, s21;
	v8 =	vld [tilespmem:s22+$0xFFFFFFD0];
	[tilespmem:s20+$0xFFFFFFE0] =	vst v9;
	v3 =	vmul.f32 $3.200000000e+01, v3  }
0x1ca: {  	p1 =	slt.u32 s21, $0x38;
	v9 =	vld [tilespmem:s22+$0xFFFFFFE0];
	[tilespmem:s20+$0x0] =	vst v5;
	v6 =	vmul.f32 $3.200000000e+01, v6  }
.Ltmp10:
0x1cb: {  	v5 =	vld [tilespmem:s22+$0x0];
	[tilespmem:s20+$0x10] =	vst v3;
	v4 =	vmul.f32 $3.200000000e+01, v4;
	(pc) =	sbr.rel @p1 .LBB2_20-.Ltmp10, $4  }
0x1cc: {  	v3 =	vld [tilespmem:s22+$0x10];
	v7 =	vmul.f32 $3.200000000e+01, v7;
	[tilespmem:s20+$0x20] =	vst v6  }
0x1cd: {  	v10 =	vmul.f32 $3.200000000e+01, v10;
	v6 =	vld [tilespmem:s22+$0x20];
	[tilespmem:s20+$0x30] =	vst v4  }
0x1ce: {  	v8 =	vmul.f32 $3.200000000e+01, v8;
	v4 =	vld [tilespmem:s22+$0x30];
	[tilespmem:s20+$0xFFFFFFF0] =	vst v7;
	s20 =	smov.u32 s22  }
0x1cf: {  	s22 =	sadd.s32 $0x400, s22;
	[tilespmem:s20+$0xFFFFFFC0] =	vst v10;
	v9 =	vmul.f32 $3.200000000e+01, v9;
	v7 =	vld [tilespmem:s20+$0xFFFFFFF0]  }
0x1d0: {  	[tilespmem:s20+$0xFFFFFFD0] =	vst v8;
	v5 =	vmul.f32 $3.200000000e+01, v5;
	s19 =	sadd.s32 $0x1, s19  }
0x1d1: {  	[tilespmem:s20+$0xFFFFFFE0] =	vst v9;
	v3 =	vmul.f32 $3.200000000e+01, v3;
	p1 =	sne.s32 s19, $0x20  }
.Ltmp11:
0x1d2: {  	[tilespmem:s20+$0x0] =	vst v5;
	v62 =	vmul.f32 $3.200000000e+01, v6;
	(pc) =	sbr.rel @p1 .LBB2_19-.Ltmp11, $4  }
0x1d3: {  	[tilespmem:s20+$0x10] =	vst v3;
	v3 =	vmul.f32 $3.200000000e+01, v4  }
0x1d4: {  	v63 =	vmul.f32 $3.200000000e+01, v7;
	[tilespmem:s20+$0x20] =	vst v62  }
0x1d5: {  	[tilespmem:s20+$0x30] =	vst v3  }
0x1d6: {  	s18 =	sadd.s32 $0x400, s18;
	s16 =	sadd.s32 $0x1, s16;
	[tilespmem:s20+$0xFFFFFFF0] =	vst v63  }
.Ltmp12:
0x1d7: {  	(pc) =	sbr.rel @!p0 .LBB2_24-.Ltmp12, $4  }
0x1d8: {  	_ = 	snop  }
0x1d9: {  	_ =	swait.ge [sflag:s0], $0x8000  }
0x1da: {  	[sflag:s0] =	ssyncset.done $0x0  }
0x1db: {  	[sflag:s0] =	ssyncadd.s32 $0xFFFF8000  }
0x1dc: {  	v3 =	vld [tilespmem:$0xC0];
	_ =	sdelay $0x4  }
0x1dd: {  	v4 =	vshll.u32 v3, $0x3  }
0x1de: {  	v3 =	vand.u32 $0x7, v3;
	v4 =	vand.u32 $0xFFFFFFC0, v4  }
0x1df: {  	v3 =	vor.u32 v3, v4  }
0x1e0: {  	v4 =	vperm.xlane v3, v0;
	_ =	sdelay $0x1  }
0x1e1: {  	v4 =	vadd.s32 v1, v4;
	_ =	sdelay $0x4  }
0x1e2: {  	[tilespmem:s17], [sflag:$0x1] =	stream.indirect_vreg.gather [hbm4b:s1+s4], $0x80, v4, vm0, $0xb8;
	[tilespmem:$0x18100] =	vst v63  }
0x1e3: {  	s16 =	simm.s32 $0x900;
	v3 =	vperm.xlane v3, v2  }
0x1e4: {  	[tilespmem:s16], [sflag:$0x1] =	stream.indirect_vreg.gather [hbm4b:s6+s4], $0x80, v4, vm0, $0xb8;
	[tilespmem:$0x18100] =	vst v63  }
0x1e5: {  	s22 =	simm.s32 $0x1100;
	v3 =	vadd.s32 v1, v3  }
0x1e6: {  	[tilespmem:s22], [sflag:$0x1] =	stream.indirect_vreg.gather [hbm4b:s7+s4], $0x80, v4, vm0, $0xb8;
	[tilespmem:$0x18100] =	vst v63  }
0x1e7: {  	s23 =	simm.s32 $0x1900  }
0x1e8: {  	[tilespmem:s23], [sflag:$0x1] =	stream.indirect_vreg.gather [hbm4b:s9+s4], $0x80, v4, vm0, $0xb8;
	[tilespmem:$0x18100] =	vst v63  }
0x1e9: {  	s18 =	simm.s32 $0x2100  }
0x1ea: {  	[tilespmem:s18], [sflag:$0x1] =	stream.indirect_vreg.gather [hbm4b:s1+s4], $0x80, v3, vm0, $0xb8;
	[tilespmem:$0x18100] =	vst v63  }
0x1eb: {  	s19 =	simm.s32 $0x2900  }
0x1ec: {  	[tilespmem:s19], [sflag:$0x1] =	stream.indirect_vreg.gather [hbm4b:s6+s4], $0x80, v3, vm0, $0xb8;
	[tilespmem:$0x18100] =	vst v63  }
0x1ed: {  	s20 =	simm.s32 $0x3100  }
0x1ee: {  	[tilespmem:s20], [sflag:$0x1] =	stream.indirect_vreg.gather [hbm4b:s7+s4], $0x80, v3, vm0, $0xb8;
	[tilespmem:$0x18100] =	vst v63  }
0x1ef: {  	s21 =	simm.s32 $0x3900  }
0x1f0: {  	[tilespmem:s21], [sflag:$0x1] =	stream.indirect_vreg.gather [hbm4b:s9+s4], $0x80, v3, vm0, $0xb8;
	[tilespmem:$0x18100] =	vst v63  }
0x1f1: {  	v3 =	vld [tilespmem:$0xD0];
	_ =	sdelay $0x4  }
0x1f2: {  	v63 =	vshll.u32 v3, $0x3  }
0x1f3: {  	v3 =	vand.u32 $0x7, v3;
	v4 =	vand.u32 $0xFFFFFFC0, v63  }
0x1f4: {  	v3 =	vor.u32 v3, v4  }
0x1f5: {  	v4 =	vperm.xlane v3, v0;
	_ =	sdelay $0x1  }
0x1f6: {  	v4 =	vadd.s32 v1, v4;
	_ =	sdelay $0x3  }
0x1f7: {  	s22 =	simm.s32 $0x4100  }
0x1f8: {  	[tilespmem:s22], [sflag:$0x1] =	stream.indirect_vreg.gather [hbm4b:s1+s4], $0x80, v4, vm0, $0xb8;
	[tilespmem:$0x18100] =	vst v63  }
0x1f9: {  	s23 =	simm.s32 $0x4900;
	v3 =	vperm.xlane v3, v2  }
0x1fa: {  	[tilespmem:s23], [sflag:$0x1] =	stream.indirect_vreg.gather [hbm4b:s6+s4], $0x80, v4, vm0, $0xb8;
	[tilespmem:$0x18100] =	vst v63  }
0x1fb: {  	s18 =	simm.s32 $0x5100;
	v3 =	vadd.s32 v1, v3  }
0x1fc: {  	[tilespmem:s18], [sflag:$0x1] =	stream.indirect_vreg.gather [hbm4b:s7+s4], $0x80, v4, vm0, $0xb8;
	[tilespmem:$0x18100] =	vst v63  }
0x1fd: {  	s19 =	simm.s32 $0x5900  }
0x1fe: {  	[tilespmem:s19], [sflag:$0x1] =	stream.indirect_vreg.gather [hbm4b:s9+s4], $0x80, v4, vm0, $0xb8;
	[tilespmem:$0x18100] =	vst v63  }
0x1ff: {  	s20 =	simm.s32 $0x6100  }
0x200: {  	[tilespmem:s20], [sflag:$0x1] =	stream.indirect_vreg.gather [hbm4b:s1+s4], $0x80, v3, vm0, $0xb8;
	[tilespmem:$0x18100] =	vst v63  }
0x201: {  	s21 =	simm.s32 $0x6900  }
0x202: {  	[tilespmem:s21], [sflag:$0x1] =	stream.indirect_vreg.gather [hbm4b:s6+s4], $0x80, v3, vm0, $0xb8;
	[tilespmem:$0x18100] =	vst v63  }
.Ltmp13:
0x203: {  	_ = 	snop;
	(pc) =	sbr.rel .LBB2_10-.Ltmp13, $4  }
0x204: {  	s10 =	sshll.u32 s10, $0xC;
	p0 =	por $0x0, $0x0;
	s22 =	simm.s32 $0x7100  }
0x205: {  	[tilespmem:s22], [sflag:$0x1] =	stream.indirect_vreg.gather [hbm4b:s7+s4], $0x80, v3, vm0, $0xb8;
	[tilespmem:$0x18100] =	vst v63  }
0x206: {  	s10 =	sadd.s32 s10, s8;
	s16 =	simm.s32 $0x1;
	s23 =	simm.s32 $0x7900  }
0x207: {  	[tilespmem:s23], [sflag:$0x1] =	stream.indirect_vreg.gather [hbm4b:s9+s4], $0x80, v3, vm0, $0xb8;
	[tilespmem:$0x18100] =	vst v63  }
.LBB2_25:
0x208: {  	_ =	sfence.sel $0x180000  }
0x209: {  	[bflag:$0x0] =	sbarrier.arrive $0xFFFF  }
0x20a: {  	_ =	strace $0x90000047  }
0x20b: {  	s0 =	stileid.u32;
	[bflag:$0x2] =	sbarrier.arrive $0xFFFF  }
0x20c: {  	p0 =	sne.s32 s0, $0x0;
	s0 =	rddreg [dreg:$0x3]  }
0x20d: {  	s0 =	sadd.s32 @!p0 $0x100000, s0  }
0x20e: {  	[sflag:s0] =	ssyncadd.tile.s32 @!p0 $0x1;
	_ =	shalt  }
.Lfunc_end2:
_tile_overlayer_lowered:
.L_overlay_start_2:
0x20f: {  	(tag) =	ssettag $0x2  }
0x210: {  	s0 =	rddreg [dreg:$0x0];
	s2 =	stileid.u32  }
0x211: {  	s1 =	rddreg [dreg:$0x1];
	p0 =	sne.s32 s2, $0x0  }
0x212: {  	s3 =	rddreg [dreg:$0x2];
	[bflag:$0x3] =	sbarrier.arrive $0xFFFF;
	s2 =	simm.s32 @!p0 $0x1C07  }
0x213: {  	[timem:s3], [sflag:s2] =	dma.local @!p0 [hbm:s0], s1  }
0x214: {  	s0 =	simm.s32 @!p0 $0x7  }
0x215: {  	_ =	swait.ge @!p0 [sflag:s0], s1  }
0x216: {  	s1 =	ssub.s32 @!p0 $0x0, s1;
	[sflag:s0] =	ssyncset.done @!p0 $0x0  }
0x217: {  	[sflag:s0] =	ssyncadd.s32 @!p0 s1  }
0x218: {  	[bflag:$0x3] =	sbarrier.arrive $0xFFFF  }
0x219: {  	_ =	shalt  }

</sc_bundles>
